<compile_context>
chip_gen: v7x
topology: tpu7x:2x2x1
jax: 0.10.2.dev20260603
libtpu: 0.0.44.dev20260713+nightly
codegen_flags: <defaults>
</compile_context>

<pallas_src>
import jax
import jax.numpy as jnp
from jax import lax
from jax.experimental import pallas as pl
from jax.experimental.pallas import tpu as pltpu
from jax.experimental.pallas import tpu_sc as plsc

_N = 1000000
_L = 16
_NC = 2
_NS = 16
_NW = _NC * _NS
_VECS = _N // _L
_VPW = _VECS // _NW
_REM = _VECS - _VPW * _NW
_MAXV = _VPW + 1


_PV = 651
_NP = _VPW // _PV


def _focal_body(x_hbm, t_hbm, a_hbm, part_hbm, out_hbm, x0_v, x1_v,
                t_v, a_v, stage_v, red_v, sem0, sem1, sem2, sem3):
    cid = lax.axis_index("c")
    sid = lax.axis_index("s")
    wid = sid * _NC + cid
    sems = [sem0, sem1, sem2]

    rb = wid * _VPW * _L

    def _start_piece(p):
        off = p * _PV * _L
        sem = sems[p % 3]
        return [
            pltpu.async_copy(x_hbm.at[pl.ds(rb + off, _PV * _L)],
                             x0_v.at[pl.ds(off, _PV * _L)], sem),
            pltpu.async_copy(x_hbm.at[pl.ds(_N + rb + off, _PV * _L)],
                             x1_v.at[pl.ds(off, _PV * _L)], sem),
            pltpu.async_copy(t_hbm.at[pl.ds(rb + off, _PV * _L)],
                             t_v.at[pl.ds(off, _PV * _L)], sem),
        ]

    handles = _start_piece(0)

    eb = (_VECS - _REM + lax.rem(wid, _REM)) * _L
    ha = pltpu.async_copy(a_hbm, a_v, sem3)
    tail_handles = [
        pltpu.async_copy(x_hbm.at[pl.ds(eb, _L)],
                         x0_v.at[pl.ds(_VPW * _L, _L)], sem3),
        pltpu.async_copy(x_hbm.at[pl.ds(_N + eb, _L)],
                         x1_v.at[pl.ds(_VPW * _L, _L)], sem3),
        pltpu.async_copy(t_hbm.at[pl.ds(eb, _L)],
                         t_v.at[pl.ds(_VPW * _L, _L)], sem3),
    ]

    tail_on = (wid < _REM).astype(jnp.float32)
    zeros = jnp.zeros((_L,), jnp.int32)
    ha.wait()
    a0 = plsc.load_gather(a_v, [zeros])
    a1 = plsc.load_gather(a_v, [zeros + 1])

    def _term(vec_off, gate):
        t = t_v[pl.ds(vec_off, _L)]
        x0 = x0_v[pl.ds(vec_off, _L)]
        x1 = x1_v[pl.ds(vec_off, _L)]
        pick0 = t == 0
        x = jnp.where(pick0, x0, x1)
        a = jnp.where(pick0, a0, a1) * gate
        nonneg = x >= 0
        u = jnp.exp(jnp.minimum(x, -x))
        z = 1.0 + u
        zp1 = z + 1.0
        r = 1.0 / (z * zp1)
        d = r * zp1
        s = u * (r * z)
        s2 = s * s
        p = jnp.float32(1 / 9)
        p = jnp.float32(1 / 7) + s2 * p
        p = jnp.float32(1 / 5) + s2 * p
        p = jnp.float32(1 / 3) + s2 * p
        p = jnp.float32(1.0) + s2 * p
        neg_logp = 2.0 * s * p - jnp.where(nonneg, jnp.float32(0.0), x)
        omp = jnp.where(nonneg, u * d, d)
        return a * (omp * omp) * neg_logp

    one = jnp.float32(1.0)
    zf = jnp.zeros((_L,), jnp.float32)
    accs = (zf, zf, zf)
    for piece in range(_NP):
        for h in handles:
            h.wait()
        if piece + 1 < _NP:
            handles = _start_piece(piece + 1)
        base = piece * _PV * _L

        def _iter(j, accs, base=base):
            o = base + j * (3 * _L)
            return (accs[0] + _term(o, one),
                    accs[1] + _term(o + _L, one),
                    accs[2] + _term(o + 2 * _L, one))

        accs = lax.fori_loop(0, _PV // 3, _iter, accs)

    for h in tail_handles:
        h.wait()
    acc = accs[0] + accs[1] + accs[2] + _term(_VPW * _L, tail_on)

    stage_v[...] = acc
    pltpu.sync_copy(stage_v, part_hbm.at[cid, sid])
    plsc.subcore_barrier()

    @pl.when(sid == 0)
    def _reduce():
        pltpu.sync_copy(part_hbm.at[cid], red_v)
        tot = red_v[0]
        for j in range(1, _NS):
            tot = tot + red_v[j]
        total = jnp.sum(tot) * jnp.float32(1.0 / _N)
        stage_v[...] = jnp.full((_L,), total, jnp.float32)
        pltpu.sync_copy(stage_v, out_hbm.at[cid])


def kernel(inputs, targets, alpha):
    mesh = plsc.VectorSubcoreMesh(core_axis_name="c", subcore_axis_name="s")
    f = pl.kernel(
        _focal_body,
        out_type=(jax.ShapeDtypeStruct((_NC, _NS, _L), jnp.float32),
                  jax.ShapeDtypeStruct((_NC, _L), jnp.float32)),
        mesh=mesh,
        scratch_types=[
            pltpu.VMEM((_MAXV * _L,), jnp.float32),
            pltpu.VMEM((_MAXV * _L,), jnp.float32),
            pltpu.VMEM((_MAXV * _L,), jnp.int32),
            pltpu.VMEM((2,), jnp.float32),
            pltpu.VMEM((_L,), jnp.float32),
            pltpu.VMEM((_NS, _L), jnp.float32),
            pltpu.SemaphoreType.DMA,
            pltpu.SemaphoreType.DMA,
            pltpu.SemaphoreType.DMA,
            pltpu.SemaphoreType.DMA,
        ],
        compiler_params=pltpu.CompilerParams(needs_layout_passes=False),
    )
    x01 = jnp.transpose(inputs).ravel()
    _, out = f(x01, targets, alpha.reshape(-1))
    return out[0, 0] + out[1, 0]

# --- scband reference (transcript-rebuilt; emitter-appended) ---
"""Pipeline reference for scband-focal-loss-44641890074973 (READ-ONLY COPY).

The authoritative reference and input builder live on the scoring server;
editing this copy changes nothing except your own understanding.
"""

import jax, jax.numpy as jnp
import numpy as np

N = 1000000
C = 2
CLASS_NUM = 2
GAMMA = 2.0


def setup_inputs(seed: int = 0) -> dict:
    key = jax.random.key(seed)
    k1, k2 = jax.random.split(key)
    inputs = jax.random.normal(k1, (N, C), dtype=jnp.float32)
    targets = jax.random.randint(k2, (N,), 0, 2, dtype=jnp.int32)
    # learned/module parameter: alpha defaults to ones(class_num, 1)
    alpha = jnp.ones((CLASS_NUM, 1), dtype=jnp.float32)
    return {"inputs": inputs, "targets": targets, "alpha": alpha}


def reference(inputs, targets, alpha):
    n = inputs.shape[0]
    P = jax.nn.sigmoid(inputs)
    # class_mask: one-hot over 2 classes via scatter-overwrite
    class_mask = jnp.zeros((n, 2), dtype=inputs.dtype)
    class_mask = class_mask.at[jnp.arange(n), targets].set(1.0)
    # alpha gather: alpha[ids] -> [N, 1]
    a = jnp.take(alpha, targets, axis=0)
    probs = jnp.sum(P * class_mask, axis=1).reshape(-1, 1)
    log_p = jnp.log(probs)
    batch_loss = -a * jnp.power(1.0 - probs, GAMMA) * log_p
    # size_average=True -> mean over batch
    loss = jnp.mean(batch_loss)
    return loss

if __name__ == "__main__":
    import jax
    _d = setup_inputs()
    print(jax.jit(kernel)(*tuple(_d.values())))

</pallas_src>

<mosaic_0001>
#map = affine_map<(d0, d1) -> (0)>
#map1 = affine_map<(d0, d1) -> (0, 0, 0)>
#map2 = affine_map<(d0, d1) -> (0, 0)>
module attributes {stable_mosaic.version = 14 : i64} {
  func.func @_focal_body(%arg0: i32, %arg1: i32, %arg2: memref<2000000xf32, #tpu.memory_space<hbm>>, %arg3: memref<1000000xi32, #tpu.memory_space<hbm>>, %arg4: memref<2xf32, #tpu.memory_space<hbm>>, %arg5: memref<2x16x16xf32, #tpu.memory_space<hbm>>, %arg6: memref<2x16xf32, #tpu.memory_space<hbm>>, %arg7: memref<31264xf32, #tpu.memory_space<vmem>>, %arg8: memref<31264xf32, #tpu.memory_space<vmem>>, %arg9: memref<31264xi32, #tpu.memory_space<vmem>>, %arg10: memref<2xf32, #tpu.memory_space<vmem>>, %arg11: memref<16xf32, #tpu.memory_space<vmem>>, %arg12: memref<16x16xf32, #tpu.memory_space<vmem>>, %arg13: memref<!tpu.dma_semaphore, #tpu.memory_space<semaphore_mem>>, %arg14: memref<!tpu.dma_semaphore, #tpu.memory_space<semaphore_mem>>, %arg15: memref<!tpu.dma_semaphore, #tpu.memory_space<semaphore_mem>>, %arg16: memref<!tpu.dma_semaphore, #tpu.memory_space<semaphore_mem>>) attributes {dimension_semantics = [#tpu.dimension_semantics<core_parallel>, #tpu.dimension_semantics<subcore_parallel>], iteration_bounds = array<i64: 2, 16>, scalar_prefetch = 0 : i64, scratch_operands = 10 : i64, tpu.core_type = #tpu.core_type<sc_vector_subcore>, window_params = [{transform_indices = #map}, {transform_indices = #map}, {transform_indices = #map}, {transform_indices = #map1}, {transform_indices = #map2}]} {
    %mul3A = arith.constant 2 : i32
    %mul3A_0 = arith.muli %arg1, %mul3A : i32
    %add3A = arith.addi %mul3A_0, %arg0 : i32
    %mul3A_1 = arith.constant 1953 : i32
    %mul3A_2 = arith.muli %add3A, %mul3A_1 : i32
    %mul3A_3 = arith.constant 16 : i32
    %mul3A_4 = arith.muli %mul3A_2, %mul3A_3 : i32
    %add3A_5 = arith.constant 0 : i32
    %add3A_6 = arith.addi %mul3A_4, %add3A_5 : i32
    %dma_start3A = arith.constant 0 : i32
    %dma_start3A_7 = tpu.memref_slice %arg7[%dma_start3A] : memref<31264xf32, #tpu.memory_space<vmem>> -> memref<10416xf32, #tpu.memory_space<vmem>>
    %dma_start3A_8 = tpu.memref_slice %arg2[%add3A_6] : memref<2000000xf32, #tpu.memory_space<hbm>> -> memref<10416xf32, #tpu.memory_space<hbm>>
    %dma_start3A_9 = arith.constant 0 : i32
    %dma_start3A_10 = tpu.memref_slice %arg7[%dma_start3A_9] : memref<31264xf32, #tpu.memory_space<vmem>> -> memref<10416xf32, #tpu.memory_space<vmem>>
    %dma_start3A_11 = tpu.memref_slice %arg2[%add3A_6] : memref<2000000xf32, #tpu.memory_space<hbm>> -> memref<10416xf32, #tpu.memory_space<hbm>>
    tpu.enqueue_dma source(%dma_start3A_11 : memref<10416xf32, #tpu.memory_space<hbm>>) target(%dma_start3A_10 : memref<10416xf32, #tpu.memory_space<vmem>>) target_semaphore(%arg13 : memref<!tpu.dma_semaphore, #tpu.memory_space<semaphore_mem>>)
    %add3A_12 = arith.constant 1000000 : i32
    %add3A_13 = arith.addi %add3A_12, %mul3A_4 : i32
    %add3A_14 = arith.constant 0 : i32
    %add3A_15 = arith.addi %add3A_13, %add3A_14 : i32
    %dma_start3A_16 = arith.constant 0 : i32
    %dma_start3A_17 = tpu.memref_slice %arg8[%dma_start3A_16] : memref<31264xf32, #tpu.memory_space<vmem>> -> memref<10416xf32, #tpu.memory_space<vmem>>
    %dma_start3A_18 = tpu.memref_slice %arg2[%add3A_15] : memref<2000000xf32, #tpu.memory_space<hbm>> -> memref<10416xf32, #tpu.memory_space<hbm>>
    %dma_start3A_19 = arith.constant 0 : i32
    %dma_start3A_20 = tpu.memref_slice %arg8[%dma_start3A_19] : memref<31264xf32, #tpu.memory_space<vmem>> -> memref<10416xf32, #tpu.memory_space<vmem>>
    %dma_start3A_21 = tpu.memref_slice %arg2[%add3A_15] : memref<2000000xf32, #tpu.memory_space<hbm>> -> memref<10416xf32, #tpu.memory_space<hbm>>
    tpu.enqueue_dma source(%dma_start3A_21 : memref<10416xf32, #tpu.memory_space<hbm>>) target(%dma_start3A_20 : memref<10416xf32, #tpu.memory_space<vmem>>) target_semaphore(%arg13 : memref<!tpu.dma_semaphore, #tpu.memory_space<semaphore_mem>>)
    %add3A_22 = arith.constant 0 : i32
    %add3A_23 = arith.addi %mul3A_4, %add3A_22 : i32
    %dma_start3A_24 = arith.constant 0 : i32
    %dma_start3A_25 = tpu.memref_slice %arg9[%dma_start3A_24] : memref<31264xi32, #tpu.memory_space<vmem>> -> memref<10416xi32, #tpu.memory_space<vmem>>
    %dma_start3A_26 = tpu.memref_slice %arg3[%add3A_23] : memref<1000000xi32, #tpu.memory_space<hbm>> -> memref<10416xi32, #tpu.memory_space<hbm>>
    %dma_start3A_27 = arith.constant 0 : i32
    %dma_start3A_28 = tpu.memref_slice %arg9[%dma_start3A_27] : memref<31264xi32, #tpu.memory_space<vmem>> -> memref<10416xi32, #tpu.memory_space<vmem>>
    %dma_start3A_29 = tpu.memref_slice %arg3[%add3A_23] : memref<1000000xi32, #tpu.memory_space<hbm>> -> memref<10416xi32, #tpu.memory_space<hbm>>
    tpu.enqueue_dma source(%dma_start3A_29 : memref<10416xi32, #tpu.memory_space<hbm>>) target(%dma_start3A_28 : memref<10416xi32, #tpu.memory_space<vmem>>) target_semaphore(%arg13 : memref<!tpu.dma_semaphore, #tpu.memory_space<semaphore_mem>>)
    %rem3A = arith.constant 4 : i32
    %rem3A_30 = arith.remsi %add3A, %rem3A : i32
    %add3A_31 = arith.constant 62496 : i32
    %add3A_32 = arith.addi %add3A_31, %rem3A_30 : i32
    %mul3A_33 = arith.constant 16 : i32
    %mul3A_34 = arith.muli %add3A_32, %mul3A_33 : i32
    tpu.enqueue_dma source(%arg4 : memref<2xf32, #tpu.memory_space<hbm>>) target(%arg10 : memref<2xf32, #tpu.memory_space<vmem>>) target_semaphore(%arg16 : memref<!tpu.dma_semaphore, #tpu.memory_space<semaphore_mem>>)
    %dma_start3A_35 = arith.constant 31248 : i32
    %dma_start3A_36 = tpu.memref_slice %arg7[%dma_start3A_35] : memref<31264xf32, #tpu.memory_space<vmem>> -> memref<16xf32, #tpu.memory_space<vmem>>
    %dma_start3A_37 = tpu.memref_slice %arg2[%mul3A_34] : memref<2000000xf32, #tpu.memory_space<hbm>> -> memref<16xf32, #tpu.memory_space<hbm>>
    %dma_start3A_38 = arith.constant 31248 : i32
    %dma_start3A_39 = tpu.memref_slice %arg7[%dma_start3A_38] : memref<31264xf32, #tpu.memory_space<vmem>> -> memref<16xf32, #tpu.memory_space<vmem>>
    %dma_start3A_40 = tpu.memref_slice %arg2[%mul3A_34] : memref<2000000xf32, #tpu.memory_space<hbm>> -> memref<16xf32, #tpu.memory_space<hbm>>
    tpu.enqueue_dma source(%dma_start3A_40 : memref<16xf32, #tpu.memory_space<hbm>>) target(%dma_start3A_39 : memref<16xf32, #tpu.memory_space<vmem>>) target_semaphore(%arg16 : memref<!tpu.dma_semaphore, #tpu.memory_space<semaphore_mem>>)
    %add3A_41 = arith.constant 1000000 : i32
    %add3A_42 = arith.addi %add3A_41, %mul3A_34 : i32
    %dma_start3A_43 = arith.constant 31248 : i32
    %dma_start3A_44 = tpu.memref_slice %arg8[%dma_start3A_43] : memref<31264xf32, #tpu.memory_space<vmem>> -> memref<16xf32, #tpu.memory_space<vmem>>
    %dma_start3A_45 = tpu.memref_slice %arg2[%add3A_42] : memref<2000000xf32, #tpu.memory_space<hbm>> -> memref<16xf32, #tpu.memory_space<hbm>>
    %dma_start3A_46 = arith.constant 31248 : i32
    %dma_start3A_47 = tpu.memref_slice %arg8[%dma_start3A_46] : memref<31264xf32, #tpu.memory_space<vmem>> -> memref<16xf32, #tpu.memory_space<vmem>>
    %dma_start3A_48 = tpu.memref_slice %arg2[%add3A_42] : memref<2000000xf32, #tpu.memory_space<hbm>> -> memref<16xf32, #tpu.memory_space<hbm>>
    tpu.enqueue_dma source(%dma_start3A_48 : memref<16xf32, #tpu.memory_space<hbm>>) target(%dma_start3A_47 : memref<16xf32, #tpu.memory_space<vmem>>) target_semaphore(%arg16 : memref<!tpu.dma_semaphore, #tpu.memory_space<semaphore_mem>>)
    %dma_start3A_49 = arith.constant 31248 : i32
    %dma_start3A_50 = tpu.memref_slice %arg9[%dma_start3A_49] : memref<31264xi32, #tpu.memory_space<vmem>> -> memref<16xi32, #tpu.memory_space<vmem>>
    %dma_start3A_51 = tpu.memref_slice %arg3[%mul3A_34] : memref<1000000xi32, #tpu.memory_space<hbm>> -> memref<16xi32, #tpu.memory_space<hbm>>
    %dma_start3A_52 = arith.constant 31248 : i32
    %dma_start3A_53 = tpu.memref_slice %arg9[%dma_start3A_52] : memref<31264xi32, #tpu.memory_space<vmem>> -> memref<16xi32, #tpu.memory_space<vmem>>
    %dma_start3A_54 = tpu.memref_slice %arg3[%mul3A_34] : memref<1000000xi32, #tpu.memory_space<hbm>> -> memref<16xi32, #tpu.memory_space<hbm>>
    tpu.enqueue_dma source(%dma_start3A_54 : memref<16xi32, #tpu.memory_space<hbm>>) target(%dma_start3A_53 : memref<16xi32, #tpu.memory_space<vmem>>) target_semaphore(%arg16 : memref<!tpu.dma_semaphore, #tpu.memory_space<semaphore_mem>>)
    %lt3A = arith.constant 4 : i32
    %lt3A_55 = arith.cmpi slt, %add3A, %lt3A : i32
    %convert_element_type3A = arith.extui %lt3A_55 : i1 to i32
    %convert_element_type3A_56 = arith.sitofp %convert_element_type3A : i32 to f32
    %broadcast_in_dim3A = arith.constant 0 : i32
    %broadcast_in_dim3A_57 = vector.broadcast %broadcast_in_dim3A : i32 to vector<16xi32>
    tpu.wait_dma2 semaphore(%arg16 : memref<!tpu.dma_semaphore, #tpu.memory_space<semaphore_mem>>) src(%arg4 : memref<2xf32, #tpu.memory_space<hbm>>) dst(%arg10 : memref<2xf32, #tpu.memory_space<vmem>>)
    %gather3A = tpu.vector_load_idx %arg10[%broadcast_in_dim3A_57] : memref<2xf32, #tpu.memory_space<vmem>>[vector<16xi32>], vector<16xf32>,
    %add3A_58 = arith.constant 1 : i32
    %add3A_59 = vector.broadcast %add3A_58 : i32 to vector<16xi32>
    %add3A_60 = arith.addi %broadcast_in_dim3A_57, %add3A_59 : vector<16xi32>
    %gather3A_61 = tpu.vector_load_idx %arg10[%add3A_60] : memref<2xf32, #tpu.memory_space<vmem>>[vector<16xi32>], vector<16xf32>,
    %broadcast_in_dim3A_62 = arith.constant 0.000000e+00 : f32
    %broadcast_in_dim3A_63 = vector.broadcast %broadcast_in_dim3A_62 : f32 to vector<16xf32>
    %dma_wait3A = arith.constant 0 : i32
    %dma_wait3A_64 = tpu.memref_slice %arg7[%dma_wait3A] : memref<31264xf32, #tpu.memory_space<vmem>> -> memref<10416xf32, #tpu.memory_space<vmem>>
    %dma_wait3A_65 = tpu.memref_slice %arg2[%add3A_6] : memref<2000000xf32, #tpu.memory_space<hbm>> -> memref<10416xf32, #tpu.memory_space<hbm>>
    %dma_wait3A_66 = arith.constant 0 : i32
    %dma_wait3A_67 = tpu.memref_slice %arg7[%dma_wait3A_66] : memref<31264xf32, #tpu.memory_space<vmem>> -> memref<10416xf32, #tpu.memory_space<vmem>>
    %dma_wait3A_68 = tpu.memref_slice %arg2[%add3A_6] : memref<2000000xf32, #tpu.memory_space<hbm>> -> memref<10416xf32, #tpu.memory_space<hbm>>
    tpu.wait_dma2 semaphore(%arg13 : memref<!tpu.dma_semaphore, #tpu.memory_space<semaphore_mem>>) src(%dma_wait3A_68 : memref<10416xf32, #tpu.memory_space<hbm>>) dst(%dma_wait3A_67 : memref<10416xf32, #tpu.memory_space<vmem>>)
    %dma_wait3A_69 = arith.constant 0 : i32
    %dma_wait3A_70 = tpu.memref_slice %arg8[%dma_wait3A_69] : memref<31264xf32, #tpu.memory_space<vmem>> -> memref<10416xf32, #tpu.memory_space<vmem>>
    %dma_wait3A_71 = tpu.memref_slice %arg2[%add3A_15] : memref<2000000xf32, #tpu.memory_space<hbm>> -> memref<10416xf32, #tpu.memory_space<hbm>>
    %dma_wait3A_72 = arith.constant 0 : i32
    %dma_wait3A_73 = tpu.memref_slice %arg8[%dma_wait3A_72] : memref<31264xf32, #tpu.memory_space<vmem>> -> memref<10416xf32, #tpu.memory_space<vmem>>
    %dma_wait3A_74 = tpu.memref_slice %arg2[%add3A_15] : memref<2000000xf32, #tpu.memory_space<hbm>> -> memref<10416xf32, #tpu.memory_space<hbm>>
    tpu.wait_dma2 semaphore(%arg13 : memref<!tpu.dma_semaphore, #tpu.memory_space<semaphore_mem>>) src(%dma_wait3A_74 : memref<10416xf32, #tpu.memory_space<hbm>>) dst(%dma_wait3A_73 : memref<10416xf32, #tpu.memory_space<vmem>>)
    %dma_wait3A_75 = arith.constant 0 : i32
    %dma_wait3A_76 = tpu.memref_slice %arg9[%dma_wait3A_75] : memref<31264xi32, #tpu.memory_space<vmem>> -> memref<10416xi32, #tpu.memory_space<vmem>>
    %dma_wait3A_77 = tpu.memref_slice %arg3[%add3A_23] : memref<1000000xi32, #tpu.memory_space<hbm>> -> memref<10416xi32, #tpu.memory_space<hbm>>
    %dma_wait3A_78 = arith.constant 0 : i32
    %dma_wait3A_79 = tpu.memref_slice %arg9[%dma_wait3A_78] : memref<31264xi32, #tpu.memory_space<vmem>> -> memref<10416xi32, #tpu.memory_space<vmem>>
    %dma_wait3A_80 = tpu.memref_slice %arg3[%add3A_23] : memref<1000000xi32, #tpu.memory_space<hbm>> -> memref<10416xi32, #tpu.memory_space<hbm>>
    tpu.wait_dma2 semaphore(%arg13 : memref<!tpu.dma_semaphore, #tpu.memory_space<semaphore_mem>>) src(%dma_wait3A_80 : memref<10416xi32, #tpu.memory_space<hbm>>) dst(%dma_wait3A_79 : memref<10416xi32, #tpu.memory_space<vmem>>)
    %add3A_81 = arith.constant 10416 : i32
    %add3A_82 = arith.addi %mul3A_4, %add3A_81 : i32
    %dma_start3A_83 = arith.constant 10416 : i32
    %dma_start3A_84 = tpu.memref_slice %arg7[%dma_start3A_83] : memref<31264xf32, #tpu.memory_space<vmem>> -> memref<10416xf32, #tpu.memory_space<vmem>>
    %dma_start3A_85 = tpu.memref_slice %arg2[%add3A_82] : memref<2000000xf32, #tpu.memory_space<hbm>> -> memref<10416xf32, #tpu.memory_space<hbm>>
    %dma_start3A_86 = arith.constant 10416 : i32
    %dma_start3A_87 = tpu.memref_slice %arg7[%dma_start3A_86] : memref<31264xf32, #tpu.memory_space<vmem>> -> memref<10416xf32, #tpu.memory_space<vmem>>
    %dma_start3A_88 = tpu.memref_slice %arg2[%add3A_82] : memref<2000000xf32, #tpu.memory_space<hbm>> -> memref<10416xf32, #tpu.memory_space<hbm>>
    tpu.enqueue_dma source(%dma_start3A_88 : memref<10416xf32, #tpu.memory_space<hbm>>) target(%dma_start3A_87 : memref<10416xf32, #tpu.memory_space<vmem>>) target_semaphore(%arg14 : memref<!tpu.dma_semaphore, #tpu.memory_space<semaphore_mem>>)
    %add3A_89 = arith.constant 1000000 : i32
    %add3A_90 = arith.addi %add3A_89, %mul3A_4 : i32
    %add3A_91 = arith.constant 10416 : i32
    %add3A_92 = arith.addi %add3A_90, %add3A_91 : i32
    %dma_start3A_93 = arith.constant 10416 : i32
    %dma_start3A_94 = tpu.memref_slice %arg8[%dma_start3A_93] : memref<31264xf32, #tpu.memory_space<vmem>> -> memref<10416xf32, #tpu.memory_space<vmem>>
    %dma_start3A_95 = tpu.memref_slice %arg2[%add3A_92] : memref<2000000xf32, #tpu.memory_space<hbm>> -> memref<10416xf32, #tpu.memory_space<hbm>>
    %dma_start3A_96 = arith.constant 10416 : i32
    %dma_start3A_97 = tpu.memref_slice %arg8[%dma_start3A_96] : memref<31264xf32, #tpu.memory_space<vmem>> -> memref<10416xf32, #tpu.memory_space<vmem>>
    %dma_start3A_98 = tpu.memref_slice %arg2[%add3A_92] : memref<2000000xf32, #tpu.memory_space<hbm>> -> memref<10416xf32, #tpu.memory_space<hbm>>
    tpu.enqueue_dma source(%dma_start3A_98 : memref<10416xf32, #tpu.memory_space<hbm>>) target(%dma_start3A_97 : memref<10416xf32, #tpu.memory_space<vmem>>) target_semaphore(%arg14 : memref<!tpu.dma_semaphore, #tpu.memory_space<semaphore_mem>>)
    %add3A_99 = arith.constant 10416 : i32
    %add3A_100 = arith.addi %mul3A_4, %add3A_99 : i32
    %dma_start3A_101 = arith.constant 10416 : i32
    %dma_start3A_102 = tpu.memref_slice %arg9[%dma_start3A_101] : memref<31264xi32, #tpu.memory_space<vmem>> -> memref<10416xi32, #tpu.memory_space<vmem>>
    %dma_start3A_103 = tpu.memref_slice %arg3[%add3A_100] : memref<1000000xi32, #tpu.memory_space<hbm>> -> memref<10416xi32, #tpu.memory_space<hbm>>
    %dma_start3A_104 = arith.constant 10416 : i32
    %dma_start3A_105 = tpu.memref_slice %arg9[%dma_start3A_104] : memref<31264xi32, #tpu.memory_space<vmem>> -> memref<10416xi32, #tpu.memory_space<vmem>>
    %dma_start3A_106 = tpu.memref_slice %arg3[%add3A_100] : memref<1000000xi32, #tpu.memory_space<hbm>> -> memref<10416xi32, #tpu.memory_space<hbm>>
    tpu.enqueue_dma source(%dma_start3A_106 : memref<10416xi32, #tpu.memory_space<hbm>>) target(%dma_start3A_105 : memref<10416xi32, #tpu.memory_space<vmem>>) target_semaphore(%arg14 : memref<!tpu.dma_semaphore, #tpu.memory_space<semaphore_mem>>)
    %scan3A = arith.constant 1.000000e+00 : f32
    %scan3A_107 = arith.constant 0 : i32
    %scan3A_108 = arith.constant 217 : i32
    %scan3A_109 = arith.addi %scan3A_107, %scan3A_108 : i32
    %scan3A_110 = arith.constant 1 : i32
    %scan3A_111:3 = scf.for %scan3A_271 = %scan3A_107 to %scan3A_109 step %scan3A_110 iter_args(%scan3A_272 = %broadcast_in_dim3A_63, %scan3A_273 = %broadcast_in_dim3A_63, %scan3A_274 = %broadcast_in_dim3A_63) -> (vector<16xf32>, vector<16xf32>, vector<16xf32>)  : i32 {
      %mul3A_275 = arith.constant 48 : i32
      %mul3A_276 = arith.muli %scan3A_271, %mul3A_275 : i32
      %add3A_277 = arith.constant 0 : i32
      %add3A_278 = arith.addi %add3A_277, %mul3A_276 : i32
      %get3A_279 = arith.index_cast %add3A_278 : i32 to index
      %get3A_280 = tpu.vector_load %arg9[%get3A_279] {strides = array<i32>} : memref<31264xi32, #tpu.memory_space<vmem>>, vector<16xi32>,
      %get3A_281 = arith.index_cast %add3A_278 : i32 to index
      %get3A_282 = tpu.vector_load %arg7[%get3A_281] {strides = array<i32>} : memref<31264xf32, #tpu.memory_space<vmem>>, vector<16xf32>,
      %get3A_283 = arith.index_cast %add3A_278 : i32 to index
      %get3A_284 = tpu.vector_load %arg8[%get3A_283] {strides = array<i32>} : memref<31264xf32, #tpu.memory_space<vmem>>, vector<16xf32>,
      %eq3A_285 = arith.constant 0 : i32
      %eq3A_286 = vector.broadcast %eq3A_285 : i32 to vector<16xi32>
      %eq3A_287 = arith.cmpi eq, %get3A_280, %eq3A_286 : vector<16xi32>
      %select_n3A_288 = arith.select %eq3A_287, %get3A_282, %get3A_284 : vector<16xi1>, vector<16xf32>
      %select_n3A_289 = arith.select %eq3A_287, %gather3A, %gather3A_61 : vector<16xi1>, vector<16xf32>
      %mul3A_290 = vector.broadcast %scan3A : f32 to vector<16xf32>
      %mul3A_291 = arith.mulf %select_n3A_289, %mul3A_290 : vector<16xf32>
      %ge3A_292 = arith.constant 0.000000e+00 : f32
      %ge3A_293 = vector.broadcast %ge3A_292 : f32 to vector<16xf32>
      %ge3A_294 = arith.cmpf oge, %select_n3A_288, %ge3A_293 : vector<16xf32>
      %neg3A_295 = arith.constant 0.000000e+00 : f32
      %neg3A_296 = vector.broadcast %neg3A_295 : f32 to vector<16xf32>
      %neg3A_297 = arith.subf %neg3A_296, %select_n3A_288 : vector<16xf32>
      %min3A_298 = arith.minimumf %select_n3A_288, %neg3A_297 : vector<16xf32>
      %exp3A_299 = math.exp %min3A_298 : vector<16xf32>
      %add3A_300 = arith.constant 1.000000e+00 : f32
      %add3A_301 = vector.broadcast %add3A_300 : f32 to vector<16xf32>
      %add3A_302 = arith.addf %add3A_301, %exp3A_299 : vector<16xf32>
      %add3A_303 = arith.constant 1.000000e+00 : f32
      %add3A_304 = vector.broadcast %add3A_303 : f32 to vector<16xf32>
      %add3A_305 = arith.addf %add3A_302, %add3A_304 : vector<16xf32>
      %mul3A_306 = arith.mulf %add3A_302, %add3A_305 : vector<16xf32>
      %div3A_307 = arith.constant 1.000000e+00 : f32
      %div3A_308 = vector.broadcast %div3A_307 : f32 to vector<16xf32>
      %div3A_309 = arith.divf %div3A_308, %mul3A_306 : vector<16xf32>
      %mul3A_310 = arith.mulf %div3A_309, %add3A_305 : vector<16xf32>
      %mul3A_311 = arith.mulf %div3A_309, %add3A_302 : vector<16xf32>
      %mul3A_312 = arith.mulf %exp3A_299, %mul3A_311 : vector<16xf32>
      %mul3A_313 = arith.mulf %mul3A_312, %mul3A_312 : vector<16xf32>
      %mul3A_314 = arith.constant 0.111111112 : f32
      %mul3A_315 = vector.broadcast %mul3A_314 : f32 to vector<16xf32>
      %mul3A_316 = arith.mulf %mul3A_313, %mul3A_315 : vector<16xf32>
      %add3A_317 = arith.constant 0.142857149 : f32
      %add3A_318 = vector.broadcast %add3A_317 : f32 to vector<16xf32>
      %add3A_319 = arith.addf %add3A_318, %mul3A_316 : vector<16xf32>
      %mul3A_320 = arith.mulf %mul3A_313, %add3A_319 : vector<16xf32>
      %add3A_321 = arith.constant 2.000000e-01 : f32
      %add3A_322 = vector.broadcast %add3A_321 : f32 to vector<16xf32>
      %add3A_323 = arith.addf %add3A_322, %mul3A_320 : vector<16xf32>
      %mul3A_324 = arith.mulf %mul3A_313, %add3A_323 : vector<16xf32>
      %add3A_325 = arith.constant 0.333333343 : f32
      %add3A_326 = vector.broadcast %add3A_325 : f32 to vector<16xf32>
      %add3A_327 = arith.addf %add3A_326, %mul3A_324 : vector<16xf32>
      %mul3A_328 = arith.mulf %mul3A_313, %add3A_327 : vector<16xf32>
      %add3A_329 = arith.constant 1.000000e+00 : f32
      %add3A_330 = vector.broadcast %add3A_329 : f32 to vector<16xf32>
      %add3A_331 = arith.addf %add3A_330, %mul3A_328 : vector<16xf32>
      %mul3A_332 = arith.constant 2.000000e+00 : f32
      %mul3A_333 = vector.broadcast %mul3A_332 : f32 to vector<16xf32>
      %mul3A_334 = arith.mulf %mul3A_333, %mul3A_312 : vector<16xf32>
      %mul3A_335 = arith.mulf %mul3A_334, %add3A_331 : vector<16xf32>
      %jit3A_336 = arith.constant 0.000000e+00 : f32
      %broadcast_in_dim3A_337 = vector.broadcast %jit3A_336 : f32 to vector<16xf32>
      %select_n3A_338 = arith.select %ge3A_294, %broadcast_in_dim3A_337, %select_n3A_288 : vector<16xi1>, vector<16xf32>
      %sub3A_339 = arith.subf %mul3A_335, %select_n3A_338 : vector<16xf32>
      %mul3A_340 = arith.mulf %exp3A_299, %mul3A_310 : vector<16xf32>
      %select_n3A_341 = arith.select %ge3A_294, %mul3A_340, %mul3A_310 : vector<16xi1>, vector<16xf32>
      %mul3A_342 = arith.mulf %select_n3A_341, %select_n3A_341 : vector<16xf32>
      %mul3A_343 = arith.mulf %mul3A_291, %mul3A_342 : vector<16xf32>
      %mul3A_344 = arith.mulf %mul3A_343, %sub3A_339 : vector<16xf32>
      %add3A_345 = arith.addf %scan3A_272, %mul3A_344 : vector<16xf32>
      %add3A_346 = arith.constant 16 : i32
      %add3A_347 = arith.addi %add3A_278, %add3A_346 : i32
      %get3A_348 = arith.index_cast %add3A_347 : i32 to index
      %get3A_349 = tpu.vector_load %arg9[%get3A_348] {strides = array<i32>} : memref<31264xi32, #tpu.memory_space<vmem>>, vector<16xi32>,
      %get3A_350 = arith.index_cast %add3A_347 : i32 to index
      %get3A_351 = tpu.vector_load %arg7[%get3A_350] {strides = array<i32>} : memref<31264xf32, #tpu.memory_space<vmem>>, vector<16xf32>,
      %get3A_352 = arith.index_cast %add3A_347 : i32 to index
      %get3A_353 = tpu.vector_load %arg8[%get3A_352] {strides = array<i32>} : memref<31264xf32, #tpu.memory_space<vmem>>, vector<16xf32>,
      %eq3A_354 = arith.constant 0 : i32
      %eq3A_355 = vector.broadcast %eq3A_354 : i32 to vector<16xi32>
      %eq3A_356 = arith.cmpi eq, %get3A_349, %eq3A_355 : vector<16xi32>
      %select_n3A_357 = arith.select %eq3A_356, %get3A_351, %get3A_353 : vector<16xi1>, vector<16xf32>
      %select_n3A_358 = arith.select %eq3A_356, %gather3A, %gather3A_61 : vector<16xi1>, vector<16xf32>
      %mul3A_359 = vector.broadcast %scan3A : f32 to vector<16xf32>
      %mul3A_360 = arith.mulf %select_n3A_358, %mul3A_359 : vector<16xf32>
      %ge3A_361 = arith.constant 0.000000e+00 : f32
      %ge3A_362 = vector.broadcast %ge3A_361 : f32 to vector<16xf32>
      %ge3A_363 = arith.cmpf oge, %select_n3A_357, %ge3A_362 : vector<16xf32>
      %neg3A_364 = arith.constant 0.000000e+00 : f32
      %neg3A_365 = vector.broadcast %neg3A_364 : f32 to vector<16xf32>
      %neg3A_366 = arith.subf %neg3A_365, %select_n3A_357 : vector<16xf32>
      %min3A_367 = arith.minimumf %select_n3A_357, %neg3A_366 : vector<16xf32>
      %exp3A_368 = math.exp %min3A_367 : vector<16xf32>
      %add3A_369 = arith.constant 1.000000e+00 : f32
      %add3A_370 = vector.broadcast %add3A_369 : f32 to vector<16xf32>
      %add3A_371 = arith.addf %add3A_370, %exp3A_368 : vector<16xf32>
      %add3A_372 = arith.constant 1.000000e+00 : f32
      %add3A_373 = vector.broadcast %add3A_372 : f32 to vector<16xf32>
      %add3A_374 = arith.addf %add3A_371, %add3A_373 : vector<16xf32>
      %mul3A_375 = arith.mulf %add3A_371, %add3A_374 : vector<16xf32>
      %div3A_376 = arith.constant 1.000000e+00 : f32
      %div3A_377 = vector.broadcast %div3A_376 : f32 to vector<16xf32>
      %div3A_378 = arith.divf %div3A_377, %mul3A_375 : vector<16xf32>
      %mul3A_379 = arith.mulf %div3A_378, %add3A_374 : vector<16xf32>
      %mul3A_380 = arith.mulf %div3A_378, %add3A_371 : vector<16xf32>
      %mul3A_381 = arith.mulf %exp3A_368, %mul3A_380 : vector<16xf32>
      %mul3A_382 = arith.mulf %mul3A_381, %mul3A_381 : vector<16xf32>
      %mul3A_383 = arith.constant 0.111111112 : f32
      %mul3A_384 = vector.broadcast %mul3A_383 : f32 to vector<16xf32>
      %mul3A_385 = arith.mulf %mul3A_382, %mul3A_384 : vector<16xf32>
      %add3A_386 = arith.constant 0.142857149 : f32
      %add3A_387 = vector.broadcast %add3A_386 : f32 to vector<16xf32>
      %add3A_388 = arith.addf %add3A_387, %mul3A_385 : vector<16xf32>
      %mul3A_389 = arith.mulf %mul3A_382, %add3A_388 : vector<16xf32>
      %add3A_390 = arith.constant 2.000000e-01 : f32
      %add3A_391 = vector.broadcast %add3A_390 : f32 to vector<16xf32>
      %add3A_392 = arith.addf %add3A_391, %mul3A_389 : vector<16xf32>
      %mul3A_393 = arith.mulf %mul3A_382, %add3A_392 : vector<16xf32>
      %add3A_394 = arith.constant 0.333333343 : f32
      %add3A_395 = vector.broadcast %add3A_394 : f32 to vector<16xf32>
      %add3A_396 = arith.addf %add3A_395, %mul3A_393 : vector<16xf32>
      %mul3A_397 = arith.mulf %mul3A_382, %add3A_396 : vector<16xf32>
      %add3A_398 = arith.constant 1.000000e+00 : f32
      %add3A_399 = vector.broadcast %add3A_398 : f32 to vector<16xf32>
      %add3A_400 = arith.addf %add3A_399, %mul3A_397 : vector<16xf32>
      %mul3A_401 = arith.constant 2.000000e+00 : f32
      %mul3A_402 = vector.broadcast %mul3A_401 : f32 to vector<16xf32>
      %mul3A_403 = arith.mulf %mul3A_402, %mul3A_381 : vector<16xf32>
      %mul3A_404 = arith.mulf %mul3A_403, %add3A_400 : vector<16xf32>
      %jit3A_405 = arith.constant 0.000000e+00 : f32
      %broadcast_in_dim3A_406 = vector.broadcast %jit3A_405 : f32 to vector<16xf32>
      %select_n3A_407 = arith.select %ge3A_363, %broadcast_in_dim3A_406, %select_n3A_357 : vector<16xi1>, vector<16xf32>
      %sub3A_408 = arith.subf %mul3A_404, %select_n3A_407 : vector<16xf32>
      %mul3A_409 = arith.mulf %exp3A_368, %mul3A_379 : vector<16xf32>
      %select_n3A_410 = arith.select %ge3A_363, %mul3A_409, %mul3A_379 : vector<16xi1>, vector<16xf32>
      %mul3A_411 = arith.mulf %select_n3A_410, %select_n3A_410 : vector<16xf32>
      %mul3A_412 = arith.mulf %mul3A_360, %mul3A_411 : vector<16xf32>
      %mul3A_413 = arith.mulf %mul3A_412, %sub3A_408 : vector<16xf32>
      %add3A_414 = arith.addf %scan3A_273, %mul3A_413 : vector<16xf32>
      %add3A_415 = arith.constant 32 : i32
      %add3A_416 = arith.addi %add3A_278, %add3A_415 : i32
      %get3A_417 = arith.index_cast %add3A_416 : i32 to index
      %get3A_418 = tpu.vector_load %arg9[%get3A_417] {strides = array<i32>} : memref<31264xi32, #tpu.memory_space<vmem>>, vector<16xi32>,
      %get3A_419 = arith.index_cast %add3A_416 : i32 to index
      %get3A_420 = tpu.vector_load %arg7[%get3A_419] {strides = array<i32>} : memref<31264xf32, #tpu.memory_space<vmem>>, vector<16xf32>,
      %get3A_421 = arith.index_cast %add3A_416 : i32 to index
      %get3A_422 = tpu.vector_load %arg8[%get3A_421] {strides = array<i32>} : memref<31264xf32, #tpu.memory_space<vmem>>, vector<16xf32>,
      %eq3A_423 = arith.constant 0 : i32
      %eq3A_424 = vector.broadcast %eq3A_423 : i32 to vector<16xi32>
      %eq3A_425 = arith.cmpi eq, %get3A_418, %eq3A_424 : vector<16xi32>
      %select_n3A_426 = arith.select %eq3A_425, %get3A_420, %get3A_422 : vector<16xi1>, vector<16xf32>
      %select_n3A_427 = arith.select %eq3A_425, %gather3A, %gather3A_61 : vector<16xi1>, vector<16xf32>
      %mul3A_428 = vector.broadcast %scan3A : f32 to vector<16xf32>
      %mul3A_429 = arith.mulf %select_n3A_427, %mul3A_428 : vector<16xf32>
      %ge3A_430 = arith.constant 0.000000e+00 : f32
      %ge3A_431 = vector.broadcast %ge3A_430 : f32 to vector<16xf32>
      %ge3A_432 = arith.cmpf oge, %select_n3A_426, %ge3A_431 : vector<16xf32>
      %neg3A_433 = arith.constant 0.000000e+00 : f32
      %neg3A_434 = vector.broadcast %neg3A_433 : f32 to vector<16xf32>
      %neg3A_435 = arith.subf %neg3A_434, %select_n3A_426 : vector<16xf32>
      %min3A_436 = arith.minimumf %select_n3A_426, %neg3A_435 : vector<16xf32>
      %exp3A_437 = math.exp %min3A_436 : vector<16xf32>
      %add3A_438 = arith.constant 1.000000e+00 : f32
      %add3A_439 = vector.broadcast %add3A_438 : f32 to vector<16xf32>
      %add3A_440 = arith.addf %add3A_439, %exp3A_437 : vector<16xf32>
      %add3A_441 = arith.constant 1.000000e+00 : f32
      %add3A_442 = vector.broadcast %add3A_441 : f32 to vector<16xf32>
      %add3A_443 = arith.addf %add3A_440, %add3A_442 : vector<16xf32>
      %mul3A_444 = arith.mulf %add3A_440, %add3A_443 : vector<16xf32>
      %div3A_445 = arith.constant 1.000000e+00 : f32
      %div3A_446 = vector.broadcast %div3A_445 : f32 to vector<16xf32>
      %div3A_447 = arith.divf %div3A_446, %mul3A_444 : vector<16xf32>
      %mul3A_448 = arith.mulf %div3A_447, %add3A_443 : vector<16xf32>
      %mul3A_449 = arith.mulf %div3A_447, %add3A_440 : vector<16xf32>
      %mul3A_450 = arith.mulf %exp3A_437, %mul3A_449 : vector<16xf32>
      %mul3A_451 = arith.mulf %mul3A_450, %mul3A_450 : vector<16xf32>
      %mul3A_452 = arith.constant 0.111111112 : f32
      %mul3A_453 = vector.broadcast %mul3A_452 : f32 to vector<16xf32>
      %mul3A_454 = arith.mulf %mul3A_451, %mul3A_453 : vector<16xf32>
      %add3A_455 = arith.constant 0.142857149 : f32
      %add3A_456 = vector.broadcast %add3A_455 : f32 to vector<16xf32>
      %add3A_457 = arith.addf %add3A_456, %mul3A_454 : vector<16xf32>
      %mul3A_458 = arith.mulf %mul3A_451, %add3A_457 : vector<16xf32>
      %add3A_459 = arith.constant 2.000000e-01 : f32
      %add3A_460 = vector.broadcast %add3A_459 : f32 to vector<16xf32>
      %add3A_461 = arith.addf %add3A_460, %mul3A_458 : vector<16xf32>
      %mul3A_462 = arith.mulf %mul3A_451, %add3A_461 : vector<16xf32>
      %add3A_463 = arith.constant 0.333333343 : f32
      %add3A_464 = vector.broadcast %add3A_463 : f32 to vector<16xf32>
      %add3A_465 = arith.addf %add3A_464, %mul3A_462 : vector<16xf32>
      %mul3A_466 = arith.mulf %mul3A_451, %add3A_465 : vector<16xf32>
      %add3A_467 = arith.constant 1.000000e+00 : f32
      %add3A_468 = vector.broadcast %add3A_467 : f32 to vector<16xf32>
      %add3A_469 = arith.addf %add3A_468, %mul3A_466 : vector<16xf32>
      %mul3A_470 = arith.constant 2.000000e+00 : f32
      %mul3A_471 = vector.broadcast %mul3A_470 : f32 to vector<16xf32>
      %mul3A_472 = arith.mulf %mul3A_471, %mul3A_450 : vector<16xf32>
      %mul3A_473 = arith.mulf %mul3A_472, %add3A_469 : vector<16xf32>
      %jit3A_474 = arith.constant 0.000000e+00 : f32
      %broadcast_in_dim3A_475 = vector.broadcast %jit3A_474 : f32 to vector<16xf32>
      %select_n3A_476 = arith.select %ge3A_432, %broadcast_in_dim3A_475, %select_n3A_426 : vector<16xi1>, vector<16xf32>
      %sub3A_477 = arith.subf %mul3A_473, %select_n3A_476 : vector<16xf32>
      %mul3A_478 = arith.mulf %exp3A_437, %mul3A_448 : vector<16xf32>
      %select_n3A_479 = arith.select %ge3A_432, %mul3A_478, %mul3A_448 : vector<16xi1>, vector<16xf32>
      %mul3A_480 = arith.mulf %select_n3A_479, %select_n3A_479 : vector<16xf32>
      %mul3A_481 = arith.mulf %mul3A_429, %mul3A_480 : vector<16xf32>
      %mul3A_482 = arith.mulf %mul3A_481, %sub3A_477 : vector<16xf32>
      %add3A_483 = arith.addf %scan3A_274, %mul3A_482 : vector<16xf32>
      scf.yield %add3A_345, %add3A_414, %add3A_483 : vector<16xf32>, vector<16xf32>, vector<16xf32>
    }
    %scan3A_112 = arith.constant 217 : i32
    %dma_wait3A_113 = arith.constant 10416 : i32
    %dma_wait3A_114 = tpu.memref_slice %arg7[%dma_wait3A_113] : memref<31264xf32, #tpu.memory_space<vmem>> -> memref<10416xf32, #tpu.memory_space<vmem>>
    %dma_wait3A_115 = tpu.memref_slice %arg2[%add3A_82] : memref<2000000xf32, #tpu.memory_space<hbm>> -> memref<10416xf32, #tpu.memory_space<hbm>>
    %dma_wait3A_116 = arith.constant 10416 : i32
    %dma_wait3A_117 = tpu.memref_slice %arg7[%dma_wait3A_116] : memref<31264xf32, #tpu.memory_space<vmem>> -> memref<10416xf32, #tpu.memory_space<vmem>>
    %dma_wait3A_118 = tpu.memref_slice %arg2[%add3A_82] : memref<2000000xf32, #tpu.memory_space<hbm>> -> memref<10416xf32, #tpu.memory_space<hbm>>
    tpu.wait_dma2 semaphore(%arg14 : memref<!tpu.dma_semaphore, #tpu.memory_space<semaphore_mem>>) src(%dma_wait3A_118 : memref<10416xf32, #tpu.memory_space<hbm>>) dst(%dma_wait3A_117 : memref<10416xf32, #tpu.memory_space<vmem>>)
    %dma_wait3A_119 = arith.constant 10416 : i32
    %dma_wait3A_120 = tpu.memref_slice %arg8[%dma_wait3A_119] : memref<31264xf32, #tpu.memory_space<vmem>> -> memref<10416xf32, #tpu.memory_space<vmem>>
    %dma_wait3A_121 = tpu.memref_slice %arg2[%add3A_92] : memref<2000000xf32, #tpu.memory_space<hbm>> -> memref<10416xf32, #tpu.memory_space<hbm>>
    %dma_wait3A_122 = arith.constant 10416 : i32
    %dma_wait3A_123 = tpu.memref_slice %arg8[%dma_wait3A_122] : memref<31264xf32, #tpu.memory_space<vmem>> -> memref<10416xf32, #tpu.memory_space<vmem>>
    %dma_wait3A_124 = tpu.memref_slice %arg2[%add3A_92] : memref<2000000xf32, #tpu.memory_space<hbm>> -> memref<10416xf32, #tpu.memory_space<hbm>>
    tpu.wait_dma2 semaphore(%arg14 : memref<!tpu.dma_semaphore, #tpu.memory_space<semaphore_mem>>) src(%dma_wait3A_124 : memref<10416xf32, #tpu.memory_space<hbm>>) dst(%dma_wait3A_123 : memref<10416xf32, #tpu.memory_space<vmem>>)
    %dma_wait3A_125 = arith.constant 10416 : i32
    %dma_wait3A_126 = tpu.memref_slice %arg9[%dma_wait3A_125] : memref<31264xi32, #tpu.memory_space<vmem>> -> memref<10416xi32, #tpu.memory_space<vmem>>
    %dma_wait3A_127 = tpu.memref_slice %arg3[%add3A_100] : memref<1000000xi32, #tpu.memory_space<hbm>> -> memref<10416xi32, #tpu.memory_space<hbm>>
    %dma_wait3A_128 = arith.constant 10416 : i32
    %dma_wait3A_129 = tpu.memref_slice %arg9[%dma_wait3A_128] : memref<31264xi32, #tpu.memory_space<vmem>> -> memref<10416xi32, #tpu.memory_space<vmem>>
    %dma_wait3A_130 = tpu.memref_slice %arg3[%add3A_100] : memref<1000000xi32, #tpu.memory_space<hbm>> -> memref<10416xi32, #tpu.memory_space<hbm>>
    tpu.wait_dma2 semaphore(%arg14 : memref<!tpu.dma_semaphore, #tpu.memory_space<semaphore_mem>>) src(%dma_wait3A_130 : memref<10416xi32, #tpu.memory_space<hbm>>) dst(%dma_wait3A_129 : memref<10416xi32, #tpu.memory_space<vmem>>)
    %add3A_131 = arith.constant 20832 : i32
    %add3A_132 = arith.addi %mul3A_4, %add3A_131 : i32
    %dma_start3A_133 = arith.constant 20832 : i32
    %dma_start3A_134 = tpu.memref_slice %arg7[%dma_start3A_133] : memref<31264xf32, #tpu.memory_space<vmem>> -> memref<10416xf32, #tpu.memory_space<vmem>>
    %dma_start3A_135 = tpu.memref_slice %arg2[%add3A_132] : memref<2000000xf32, #tpu.memory_space<hbm>> -> memref<10416xf32, #tpu.memory_space<hbm>>
    %dma_start3A_136 = arith.constant 20832 : i32
    %dma_start3A_137 = tpu.memref_slice %arg7[%dma_start3A_136] : memref<31264xf32, #tpu.memory_space<vmem>> -> memref<10416xf32, #tpu.memory_space<vmem>>
    %dma_start3A_138 = tpu.memref_slice %arg2[%add3A_132] : memref<2000000xf32, #tpu.memory_space<hbm>> -> memref<10416xf32, #tpu.memory_space<hbm>>
    tpu.enqueue_dma source(%dma_start3A_138 : memref<10416xf32, #tpu.memory_space<hbm>>) target(%dma_start3A_137 : memref<10416xf32, #tpu.memory_space<vmem>>) target_semaphore(%arg15 : memref<!tpu.dma_semaphore, #tpu.memory_space<semaphore_mem>>)
    %add3A_139 = arith.constant 1000000 : i32
    %add3A_140 = arith.addi %add3A_139, %mul3A_4 : i32
    %add3A_141 = arith.constant 20832 : i32
    %add3A_142 = arith.addi %add3A_140, %add3A_141 : i32
    %dma_start3A_143 = arith.constant 20832 : i32
    %dma_start3A_144 = tpu.memref_slice %arg8[%dma_start3A_143] : memref<31264xf32, #tpu.memory_space<vmem>> -> memref<10416xf32, #tpu.memory_space<vmem>>
    %dma_start3A_145 = tpu.memref_slice %arg2[%add3A_142] : memref<2000000xf32, #tpu.memory_space<hbm>> -> memref<10416xf32, #tpu.memory_space<hbm>>
    %dma_start3A_146 = arith.constant 20832 : i32
    %dma_start3A_147 = tpu.memref_slice %arg8[%dma_start3A_146] : memref<31264xf32, #tpu.memory_space<vmem>> -> memref<10416xf32, #tpu.memory_space<vmem>>
    %dma_start3A_148 = tpu.memref_slice %arg2[%add3A_142] : memref<2000000xf32, #tpu.memory_space<hbm>> -> memref<10416xf32, #tpu.memory_space<hbm>>
    tpu.enqueue_dma source(%dma_start3A_148 : memref<10416xf32, #tpu.memory_space<hbm>>) target(%dma_start3A_147 : memref<10416xf32, #tpu.memory_space<vmem>>) target_semaphore(%arg15 : memref<!tpu.dma_semaphore, #tpu.memory_space<semaphore_mem>>)
    %add3A_149 = arith.constant 20832 : i32
    %add3A_150 = arith.addi %mul3A_4, %add3A_149 : i32
    %dma_start3A_151 = arith.constant 20832 : i32
    %dma_start3A_152 = tpu.memref_slice %arg9[%dma_start3A_151] : memref<31264xi32, #tpu.memory_space<vmem>> -> memref<10416xi32, #tpu.memory_space<vmem>>
    %dma_start3A_153 = tpu.memref_slice %arg3[%add3A_150] : memref<1000000xi32, #tpu.memory_space<hbm>> -> memref<10416xi32, #tpu.memory_space<hbm>>
    %dma_start3A_154 = arith.constant 20832 : i32
    %dma_start3A_155 = tpu.memref_slice %arg9[%dma_start3A_154] : memref<31264xi32, #tpu.memory_space<vmem>> -> memref<10416xi32, #tpu.memory_space<vmem>>
    %dma_start3A_156 = tpu.memref_slice %arg3[%add3A_150] : memref<1000000xi32, #tpu.memory_space<hbm>> -> memref<10416xi32, #tpu.memory_space<hbm>>
    tpu.enqueue_dma source(%dma_start3A_156 : memref<10416xi32, #tpu.memory_space<hbm>>) target(%dma_start3A_155 : memref<10416xi32, #tpu.memory_space<vmem>>) target_semaphore(%arg15 : memref<!tpu.dma_semaphore, #tpu.memory_space<semaphore_mem>>)
    %scan3A_157 = arith.constant 1.000000e+00 : f32
    %scan3A_158 = arith.constant 0 : i32
    %scan3A_159 = arith.constant 217 : i32
    %scan3A_160 = arith.addi %scan3A_158, %scan3A_159 : i32
    %scan3A_161 = arith.constant 1 : i32
    %scan3A_162:3 = scf.for %scan3A_271 = %scan3A_158 to %scan3A_160 step %scan3A_161 iter_args(%scan3A_272 = %scan3A_111#0, %scan3A_273 = %scan3A_111#1, %scan3A_274 = %scan3A_111#2) -> (vector<16xf32>, vector<16xf32>, vector<16xf32>)  : i32 {
      %mul3A_275 = arith.constant 48 : i32
      %mul3A_276 = arith.muli %scan3A_271, %mul3A_275 : i32
      %add3A_277 = arith.constant 10416 : i32
      %add3A_278 = arith.addi %add3A_277, %mul3A_276 : i32
      %get3A_279 = arith.index_cast %add3A_278 : i32 to index
      %get3A_280 = tpu.vector_load %arg9[%get3A_279] {strides = array<i32>} : memref<31264xi32, #tpu.memory_space<vmem>>, vector<16xi32>,
      %get3A_281 = arith.index_cast %add3A_278 : i32 to index
      %get3A_282 = tpu.vector_load %arg7[%get3A_281] {strides = array<i32>} : memref<31264xf32, #tpu.memory_space<vmem>>, vector<16xf32>,
      %get3A_283 = arith.index_cast %add3A_278 : i32 to index
      %get3A_284 = tpu.vector_load %arg8[%get3A_283] {strides = array<i32>} : memref<31264xf32, #tpu.memory_space<vmem>>, vector<16xf32>,
      %eq3A_285 = arith.constant 0 : i32
      %eq3A_286 = vector.broadcast %eq3A_285 : i32 to vector<16xi32>
      %eq3A_287 = arith.cmpi eq, %get3A_280, %eq3A_286 : vector<16xi32>
      %select_n3A_288 = arith.select %eq3A_287, %get3A_282, %get3A_284 : vector<16xi1>, vector<16xf32>
      %select_n3A_289 = arith.select %eq3A_287, %gather3A, %gather3A_61 : vector<16xi1>, vector<16xf32>
      %mul3A_290 = vector.broadcast %scan3A_157 : f32 to vector<16xf32>
      %mul3A_291 = arith.mulf %select_n3A_289, %mul3A_290 : vector<16xf32>
      %ge3A_292 = arith.constant 0.000000e+00 : f32
      %ge3A_293 = vector.broadcast %ge3A_292 : f32 to vector<16xf32>
      %ge3A_294 = arith.cmpf oge, %select_n3A_288, %ge3A_293 : vector<16xf32>
      %neg3A_295 = arith.constant 0.000000e+00 : f32
      %neg3A_296 = vector.broadcast %neg3A_295 : f32 to vector<16xf32>
      %neg3A_297 = arith.subf %neg3A_296, %select_n3A_288 : vector<16xf32>
      %min3A_298 = arith.minimumf %select_n3A_288, %neg3A_297 : vector<16xf32>
      %exp3A_299 = math.exp %min3A_298 : vector<16xf32>
      %add3A_300 = arith.constant 1.000000e+00 : f32
      %add3A_301 = vector.broadcast %add3A_300 : f32 to vector<16xf32>
      %add3A_302 = arith.addf %add3A_301, %exp3A_299 : vector<16xf32>
      %add3A_303 = arith.constant 1.000000e+00 : f32
      %add3A_304 = vector.broadcast %add3A_303 : f32 to vector<16xf32>
      %add3A_305 = arith.addf %add3A_302, %add3A_304 : vector<16xf32>
      %mul3A_306 = arith.mulf %add3A_302, %add3A_305 : vector<16xf32>
      %div3A_307 = arith.constant 1.000000e+00 : f32
      %div3A_308 = vector.broadcast %div3A_307 : f32 to vector<16xf32>
      %div3A_309 = arith.divf %div3A_308, %mul3A_306 : vector<16xf32>
      %mul3A_310 = arith.mulf %div3A_309, %add3A_305 : vector<16xf32>
      %mul3A_311 = arith.mulf %div3A_309, %add3A_302 : vector<16xf32>
      %mul3A_312 = arith.mulf %exp3A_299, %mul3A_311 : vector<16xf32>
      %mul3A_313 = arith.mulf %mul3A_312, %mul3A_312 : vector<16xf32>
      %mul3A_314 = arith.constant 0.111111112 : f32
      %mul3A_315 = vector.broadcast %mul3A_314 : f32 to vector<16xf32>
      %mul3A_316 = arith.mulf %mul3A_313, %mul3A_315 : vector<16xf32>
      %add3A_317 = arith.constant 0.142857149 : f32
      %add3A_318 = vector.broadcast %add3A_317 : f32 to vector<16xf32>
      %add3A_319 = arith.addf %add3A_318, %mul3A_316 : vector<16xf32>
      %mul3A_320 = arith.mulf %mul3A_313, %add3A_319 : vector<16xf32>
      %add3A_321 = arith.constant 2.000000e-01 : f32
      %add3A_322 = vector.broadcast %add3A_321 : f32 to vector<16xf32>
      %add3A_323 = arith.addf %add3A_322, %mul3A_320 : vector<16xf32>
      %mul3A_324 = arith.mulf %mul3A_313, %add3A_323 : vector<16xf32>
      %add3A_325 = arith.constant 0.333333343 : f32
      %add3A_326 = vector.broadcast %add3A_325 : f32 to vector<16xf32>
      %add3A_327 = arith.addf %add3A_326, %mul3A_324 : vector<16xf32>
      %mul3A_328 = arith.mulf %mul3A_313, %add3A_327 : vector<16xf32>
      %add3A_329 = arith.constant 1.000000e+00 : f32
      %add3A_330 = vector.broadcast %add3A_329 : f32 to vector<16xf32>
      %add3A_331 = arith.addf %add3A_330, %mul3A_328 : vector<16xf32>
      %mul3A_332 = arith.constant 2.000000e+00 : f32
      %mul3A_333 = vector.broadcast %mul3A_332 : f32 to vector<16xf32>
      %mul3A_334 = arith.mulf %mul3A_333, %mul3A_312 : vector<16xf32>
      %mul3A_335 = arith.mulf %mul3A_334, %add3A_331 : vector<16xf32>
      %jit3A_336 = arith.constant 0.000000e+00 : f32
      %broadcast_in_dim3A_337 = vector.broadcast %jit3A_336 : f32 to vector<16xf32>
      %select_n3A_338 = arith.select %ge3A_294, %broadcast_in_dim3A_337, %select_n3A_288 : vector<16xi1>, vector<16xf32>
      %sub3A_339 = arith.subf %mul3A_335, %select_n3A_338 : vector<16xf32>
      %mul3A_340 = arith.mulf %exp3A_299, %mul3A_310 : vector<16xf32>
      %select_n3A_341 = arith.select %ge3A_294, %mul3A_340, %mul3A_310 : vector<16xi1>, vector<16xf32>
      %mul3A_342 = arith.mulf %select_n3A_341, %select_n3A_341 : vector<16xf32>
      %mul3A_343 = arith.mulf %mul3A_291, %mul3A_342 : vector<16xf32>
      %mul3A_344 = arith.mulf %mul3A_343, %sub3A_339 : vector<16xf32>
      %add3A_345 = arith.addf %scan3A_272, %mul3A_344 : vector<16xf32>
      %add3A_346 = arith.constant 16 : i32
      %add3A_347 = arith.addi %add3A_278, %add3A_346 : i32
      %get3A_348 = arith.index_cast %add3A_347 : i32 to index
      %get3A_349 = tpu.vector_load %arg9[%get3A_348] {strides = array<i32>} : memref<31264xi32, #tpu.memory_space<vmem>>, vector<16xi32>,
      %get3A_350 = arith.index_cast %add3A_347 : i32 to index
      %get3A_351 = tpu.vector_load %arg7[%get3A_350] {strides = array<i32>} : memref<31264xf32, #tpu.memory_space<vmem>>, vector<16xf32>,
      %get3A_352 = arith.index_cast %add3A_347 : i32 to index
      %get3A_353 = tpu.vector_load %arg8[%get3A_352] {strides = array<i32>} : memref<31264xf32, #tpu.memory_space<vmem>>, vector<16xf32>,
      %eq3A_354 = arith.constant 0 : i32
      %eq3A_355 = vector.broadcast %eq3A_354 : i32 to vector<16xi32>
      %eq3A_356 = arith.cmpi eq, %get3A_349, %eq3A_355 : vector<16xi32>
      %select_n3A_357 = arith.select %eq3A_356, %get3A_351, %get3A_353 : vector<16xi1>, vector<16xf32>
      %select_n3A_358 = arith.select %eq3A_356, %gather3A, %gather3A_61 : vector<16xi1>, vector<16xf32>
      %mul3A_359 = vector.broadcast %scan3A_157 : f32 to vector<16xf32>
      %mul3A_360 = arith.mulf %select_n3A_358, %mul3A_359 : vector<16xf32>
      %ge3A_361 = arith.constant 0.000000e+00 : f32
      %ge3A_362 = vector.broadcast %ge3A_361 : f32 to vector<16xf32>
      %ge3A_363 = arith.cmpf oge, %select_n3A_357, %ge3A_362 : vector<16xf32>
      %neg3A_364 = arith.constant 0.000000e+00 : f32
      %neg3A_365 = vector.broadcast %neg3A_364 : f32 to vector<16xf32>
      %neg3A_366 = arith.subf %neg3A_365, %select_n3A_357 : vector<16xf32>
      %min3A_367 = arith.minimumf %select_n3A_357, %neg3A_366 : vector<16xf32>
      %exp3A_368 = math.exp %min3A_367 : vector<16xf32>
      %add3A_369 = arith.constant 1.000000e+00 : f32
      %add3A_370 = vector.broadcast %add3A_369 : f32 to vector<16xf32>
      %add3A_371 = arith.addf %add3A_370, %exp3A_368 : vector<16xf32>
      %add3A_372 = arith.constant 1.000000e+00 : f32
      %add3A_373 = vector.broadcast %add3A_372 : f32 to vector<16xf32>
      %add3A_374 = arith.addf %add3A_371, %add3A_373 : vector<16xf32>
      %mul3A_375 = arith.mulf %add3A_371, %add3A_374 : vector<16xf32>
      %div3A_376 = arith.constant 1.000000e+00 : f32
      %div3A_377 = vector.broadcast %div3A_376 : f32 to vector<16xf32>
      %div3A_378 = arith.divf %div3A_377, %mul3A_375 : vector<16xf32>
      %mul3A_379 = arith.mulf %div3A_378, %add3A_374 : vector<16xf32>
      %mul3A_380 = arith.mulf %div3A_378, %add3A_371 : vector<16xf32>
      %mul3A_381 = arith.mulf %exp3A_368, %mul3A_380 : vector<16xf32>
      %mul3A_382 = arith.mulf %mul3A_381, %mul3A_381 : vector<16xf32>
      %mul3A_383 = arith.constant 0.111111112 : f32
      %mul3A_384 = vector.broadcast %mul3A_383 : f32 to vector<16xf32>
      %mul3A_385 = arith.mulf %mul3A_382, %mul3A_384 : vector<16xf32>
      %add3A_386 = arith.constant 0.142857149 : f32
      %add3A_387 = vector.broadcast %add3A_386 : f32 to vector<16xf32>
      %add3A_388 = arith.addf %add3A_387, %mul3A_385 : vector<16xf32>
      %mul3A_389 = arith.mulf %mul3A_382, %add3A_388 : vector<16xf32>
      %add3A_390 = arith.constant 2.000000e-01 : f32
      %add3A_391 = vector.broadcast %add3A_390 : f32 to vector<16xf32>
      %add3A_392 = arith.addf %add3A_391, %mul3A_389 : vector<16xf32>
      %mul3A_393 = arith.mulf %mul3A_382, %add3A_392 : vector<16xf32>
      %add3A_394 = arith.constant 0.333333343 : f32
      %add3A_395 = vector.broadcast %add3A_394 : f32 to vector<16xf32>
      %add3A_396 = arith.addf %add3A_395, %mul3A_393 : vector<16xf32>
      %mul3A_397 = arith.mulf %mul3A_382, %add3A_396 : vector<16xf32>
      %add3A_398 = arith.constant 1.000000e+00 : f32
      %add3A_399 = vector.broadcast %add3A_398 : f32 to vector<16xf32>
      %add3A_400 = arith.addf %add3A_399, %mul3A_397 : vector<16xf32>
      %mul3A_401 = arith.constant 2.000000e+00 : f32
      %mul3A_402 = vector.broadcast %mul3A_401 : f32 to vector<16xf32>
      %mul3A_403 = arith.mulf %mul3A_402, %mul3A_381 : vector<16xf32>
      %mul3A_404 = arith.mulf %mul3A_403, %add3A_400 : vector<16xf32>
      %jit3A_405 = arith.constant 0.000000e+00 : f32
      %broadcast_in_dim3A_406 = vector.broadcast %jit3A_405 : f32 to vector<16xf32>
      %select_n3A_407 = arith.select %ge3A_363, %broadcast_in_dim3A_406, %select_n3A_357 : vector<16xi1>, vector<16xf32>
      %sub3A_408 = arith.subf %mul3A_404, %select_n3A_407 : vector<16xf32>
      %mul3A_409 = arith.mulf %exp3A_368, %mul3A_379 : vector<16xf32>
      %select_n3A_410 = arith.select %ge3A_363, %mul3A_409, %mul3A_379 : vector<16xi1>, vector<16xf32>
      %mul3A_411 = arith.mulf %select_n3A_410, %select_n3A_410 : vector<16xf32>
      %mul3A_412 = arith.mulf %mul3A_360, %mul3A_411 : vector<16xf32>
      %mul3A_413 = arith.mulf %mul3A_412, %sub3A_408 : vector<16xf32>
      %add3A_414 = arith.addf %scan3A_273, %mul3A_413 : vector<16xf32>
      %add3A_415 = arith.constant 32 : i32
      %add3A_416 = arith.addi %add3A_278, %add3A_415 : i32
      %get3A_417 = arith.index_cast %add3A_416 : i32 to index
      %get3A_418 = tpu.vector_load %arg9[%get3A_417] {strides = array<i32>} : memref<31264xi32, #tpu.memory_space<vmem>>, vector<16xi32>,
      %get3A_419 = arith.index_cast %add3A_416 : i32 to index
      %get3A_420 = tpu.vector_load %arg7[%get3A_419] {strides = array<i32>} : memref<31264xf32, #tpu.memory_space<vmem>>, vector<16xf32>,
      %get3A_421 = arith.index_cast %add3A_416 : i32 to index
      %get3A_422 = tpu.vector_load %arg8[%get3A_421] {strides = array<i32>} : memref<31264xf32, #tpu.memory_space<vmem>>, vector<16xf32>,
      %eq3A_423 = arith.constant 0 : i32
      %eq3A_424 = vector.broadcast %eq3A_423 : i32 to vector<16xi32>
      %eq3A_425 = arith.cmpi eq, %get3A_418, %eq3A_424 : vector<16xi32>
      %select_n3A_426 = arith.select %eq3A_425, %get3A_420, %get3A_422 : vector<16xi1>, vector<16xf32>
      %select_n3A_427 = arith.select %eq3A_425, %gather3A, %gather3A_61 : vector<16xi1>, vector<16xf32>
      %mul3A_428 = vector.broadcast %scan3A_157 : f32 to vector<16xf32>
      %mul3A_429 = arith.mulf %select_n3A_427, %mul3A_428 : vector<16xf32>
      %ge3A_430 = arith.constant 0.000000e+00 : f32
      %ge3A_431 = vector.broadcast %ge3A_430 : f32 to vector<16xf32>
      %ge3A_432 = arith.cmpf oge, %select_n3A_426, %ge3A_431 : vector<16xf32>
      %neg3A_433 = arith.constant 0.000000e+00 : f32
      %neg3A_434 = vector.broadcast %neg3A_433 : f32 to vector<16xf32>
      %neg3A_435 = arith.subf %neg3A_434, %select_n3A_426 : vector<16xf32>
      %min3A_436 = arith.minimumf %select_n3A_426, %neg3A_435 : vector<16xf32>
      %exp3A_437 = math.exp %min3A_436 : vector<16xf32>
      %add3A_438 = arith.constant 1.000000e+00 : f32
      %add3A_439 = vector.broadcast %add3A_438 : f32 to vector<16xf32>
      %add3A_440 = arith.addf %add3A_439, %exp3A_437 : vector<16xf32>
      %add3A_441 = arith.constant 1.000000e+00 : f32
      %add3A_442 = vector.broadcast %add3A_441 : f32 to vector<16xf32>
      %add3A_443 = arith.addf %add3A_440, %add3A_442 : vector<16xf32>
      %mul3A_444 = arith.mulf %add3A_440, %add3A_443 : vector<16xf32>
      %div3A_445 = arith.constant 1.000000e+00 : f32
      %div3A_446 = vector.broadcast %div3A_445 : f32 to vector<16xf32>
      %div3A_447 = arith.divf %div3A_446, %mul3A_444 : vector<16xf32>
      %mul3A_448 = arith.mulf %div3A_447, %add3A_443 : vector<16xf32>
      %mul3A_449 = arith.mulf %div3A_447, %add3A_440 : vector<16xf32>
      %mul3A_450 = arith.mulf %exp3A_437, %mul3A_449 : vector<16xf32>
      %mul3A_451 = arith.mulf %mul3A_450, %mul3A_450 : vector<16xf32>
      %mul3A_452 = arith.constant 0.111111112 : f32
      %mul3A_453 = vector.broadcast %mul3A_452 : f32 to vector<16xf32>
      %mul3A_454 = arith.mulf %mul3A_451, %mul3A_453 : vector<16xf32>
      %add3A_455 = arith.constant 0.142857149 : f32
      %add3A_456 = vector.broadcast %add3A_455 : f32 to vector<16xf32>
      %add3A_457 = arith.addf %add3A_456, %mul3A_454 : vector<16xf32>
      %mul3A_458 = arith.mulf %mul3A_451, %add3A_457 : vector<16xf32>
      %add3A_459 = arith.constant 2.000000e-01 : f32
      %add3A_460 = vector.broadcast %add3A_459 : f32 to vector<16xf32>
      %add3A_461 = arith.addf %add3A_460, %mul3A_458 : vector<16xf32>
      %mul3A_462 = arith.mulf %mul3A_451, %add3A_461 : vector<16xf32>
      %add3A_463 = arith.constant 0.333333343 : f32
      %add3A_464 = vector.broadcast %add3A_463 : f32 to vector<16xf32>
      %add3A_465 = arith.addf %add3A_464, %mul3A_462 : vector<16xf32>
      %mul3A_466 = arith.mulf %mul3A_451, %add3A_465 : vector<16xf32>
      %add3A_467 = arith.constant 1.000000e+00 : f32
      %add3A_468 = vector.broadcast %add3A_467 : f32 to vector<16xf32>
      %add3A_469 = arith.addf %add3A_468, %mul3A_466 : vector<16xf32>
      %mul3A_470 = arith.constant 2.000000e+00 : f32
      %mul3A_471 = vector.broadcast %mul3A_470 : f32 to vector<16xf32>
      %mul3A_472 = arith.mulf %mul3A_471, %mul3A_450 : vector<16xf32>
      %mul3A_473 = arith.mulf %mul3A_472, %add3A_469 : vector<16xf32>
      %jit3A_474 = arith.constant 0.000000e+00 : f32
      %broadcast_in_dim3A_475 = vector.broadcast %jit3A_474 : f32 to vector<16xf32>
      %select_n3A_476 = arith.select %ge3A_432, %broadcast_in_dim3A_475, %select_n3A_426 : vector<16xi1>, vector<16xf32>
      %sub3A_477 = arith.subf %mul3A_473, %select_n3A_476 : vector<16xf32>
      %mul3A_478 = arith.mulf %exp3A_437, %mul3A_448 : vector<16xf32>
      %select_n3A_479 = arith.select %ge3A_432, %mul3A_478, %mul3A_448 : vector<16xi1>, vector<16xf32>
      %mul3A_480 = arith.mulf %select_n3A_479, %select_n3A_479 : vector<16xf32>
      %mul3A_481 = arith.mulf %mul3A_429, %mul3A_480 : vector<16xf32>
      %mul3A_482 = arith.mulf %mul3A_481, %sub3A_477 : vector<16xf32>
      %add3A_483 = arith.addf %scan3A_274, %mul3A_482 : vector<16xf32>
      scf.yield %add3A_345, %add3A_414, %add3A_483 : vector<16xf32>, vector<16xf32>, vector<16xf32>
    }
    %scan3A_163 = arith.constant 217 : i32
    %dma_wait3A_164 = arith.constant 20832 : i32
    %dma_wait3A_165 = tpu.memref_slice %arg7[%dma_wait3A_164] : memref<31264xf32, #tpu.memory_space<vmem>> -> memref<10416xf32, #tpu.memory_space<vmem>>
    %dma_wait3A_166 = tpu.memref_slice %arg2[%add3A_132] : memref<2000000xf32, #tpu.memory_space<hbm>> -> memref<10416xf32, #tpu.memory_space<hbm>>
    %dma_wait3A_167 = arith.constant 20832 : i32
    %dma_wait3A_168 = tpu.memref_slice %arg7[%dma_wait3A_167] : memref<31264xf32, #tpu.memory_space<vmem>> -> memref<10416xf32, #tpu.memory_space<vmem>>
    %dma_wait3A_169 = tpu.memref_slice %arg2[%add3A_132] : memref<2000000xf32, #tpu.memory_space<hbm>> -> memref<10416xf32, #tpu.memory_space<hbm>>
    tpu.wait_dma2 semaphore(%arg15 : memref<!tpu.dma_semaphore, #tpu.memory_space<semaphore_mem>>) src(%dma_wait3A_169 : memref<10416xf32, #tpu.memory_space<hbm>>) dst(%dma_wait3A_168 : memref<10416xf32, #tpu.memory_space<vmem>>)
    %dma_wait3A_170 = arith.constant 20832 : i32
    %dma_wait3A_171 = tpu.memref_slice %arg8[%dma_wait3A_170] : memref<31264xf32, #tpu.memory_space<vmem>> -> memref<10416xf32, #tpu.memory_space<vmem>>
    %dma_wait3A_172 = tpu.memref_slice %arg2[%add3A_142] : memref<2000000xf32, #tpu.memory_space<hbm>> -> memref<10416xf32, #tpu.memory_space<hbm>>
    %dma_wait3A_173 = arith.constant 20832 : i32
    %dma_wait3A_174 = tpu.memref_slice %arg8[%dma_wait3A_173] : memref<31264xf32, #tpu.memory_space<vmem>> -> memref<10416xf32, #tpu.memory_space<vmem>>
    %dma_wait3A_175 = tpu.memref_slice %arg2[%add3A_142] : memref<2000000xf32, #tpu.memory_space<hbm>> -> memref<10416xf32, #tpu.memory_space<hbm>>
    tpu.wait_dma2 semaphore(%arg15 : memref<!tpu.dma_semaphore, #tpu.memory_space<semaphore_mem>>) src(%dma_wait3A_175 : memref<10416xf32, #tpu.memory_space<hbm>>) dst(%dma_wait3A_174 : memref<10416xf32, #tpu.memory_space<vmem>>)
    %dma_wait3A_176 = arith.constant 20832 : i32
    %dma_wait3A_177 = tpu.memref_slice %arg9[%dma_wait3A_176] : memref<31264xi32, #tpu.memory_space<vmem>> -> memref<10416xi32, #tpu.memory_space<vmem>>
    %dma_wait3A_178 = tpu.memref_slice %arg3[%add3A_150] : memref<1000000xi32, #tpu.memory_space<hbm>> -> memref<10416xi32, #tpu.memory_space<hbm>>
    %dma_wait3A_179 = arith.constant 20832 : i32
    %dma_wait3A_180 = tpu.memref_slice %arg9[%dma_wait3A_179] : memref<31264xi32, #tpu.memory_space<vmem>> -> memref<10416xi32, #tpu.memory_space<vmem>>
    %dma_wait3A_181 = tpu.memref_slice %arg3[%add3A_150] : memref<1000000xi32, #tpu.memory_space<hbm>> -> memref<10416xi32, #tpu.memory_space<hbm>>
    tpu.wait_dma2 semaphore(%arg15 : memref<!tpu.dma_semaphore, #tpu.memory_space<semaphore_mem>>) src(%dma_wait3A_181 : memref<10416xi32, #tpu.memory_space<hbm>>) dst(%dma_wait3A_180 : memref<10416xi32, #tpu.memory_space<vmem>>)
    %scan3A_182 = arith.constant 1.000000e+00 : f32
    %scan3A_183 = arith.constant 0 : i32
    %scan3A_184 = arith.constant 217 : i32
    %scan3A_185 = arith.addi %scan3A_183, %scan3A_184 : i32
    %scan3A_186 = arith.constant 1 : i32
    %scan3A_187:3 = scf.for %scan3A_271 = %scan3A_183 to %scan3A_185 step %scan3A_186 iter_args(%scan3A_272 = %scan3A_162#0, %scan3A_273 = %scan3A_162#1, %scan3A_274 = %scan3A_162#2) -> (vector<16xf32>, vector<16xf32>, vector<16xf32>)  : i32 {
      %mul3A_275 = arith.constant 48 : i32
      %mul3A_276 = arith.muli %scan3A_271, %mul3A_275 : i32
      %add3A_277 = arith.constant 20832 : i32
      %add3A_278 = arith.addi %add3A_277, %mul3A_276 : i32
      %get3A_279 = arith.index_cast %add3A_278 : i32 to index
      %get3A_280 = tpu.vector_load %arg9[%get3A_279] {strides = array<i32>} : memref<31264xi32, #tpu.memory_space<vmem>>, vector<16xi32>,
      %get3A_281 = arith.index_cast %add3A_278 : i32 to index
      %get3A_282 = tpu.vector_load %arg7[%get3A_281] {strides = array<i32>} : memref<31264xf32, #tpu.memory_space<vmem>>, vector<16xf32>,
      %get3A_283 = arith.index_cast %add3A_278 : i32 to index
      %get3A_284 = tpu.vector_load %arg8[%get3A_283] {strides = array<i32>} : memref<31264xf32, #tpu.memory_space<vmem>>, vector<16xf32>,
      %eq3A_285 = arith.constant 0 : i32
      %eq3A_286 = vector.broadcast %eq3A_285 : i32 to vector<16xi32>
      %eq3A_287 = arith.cmpi eq, %get3A_280, %eq3A_286 : vector<16xi32>
      %select_n3A_288 = arith.select %eq3A_287, %get3A_282, %get3A_284 : vector<16xi1>, vector<16xf32>
      %select_n3A_289 = arith.select %eq3A_287, %gather3A, %gather3A_61 : vector<16xi1>, vector<16xf32>
      %mul3A_290 = vector.broadcast %scan3A_182 : f32 to vector<16xf32>
      %mul3A_291 = arith.mulf %select_n3A_289, %mul3A_290 : vector<16xf32>
      %ge3A_292 = arith.constant 0.000000e+00 : f32
      %ge3A_293 = vector.broadcast %ge3A_292 : f32 to vector<16xf32>
      %ge3A_294 = arith.cmpf oge, %select_n3A_288, %ge3A_293 : vector<16xf32>
      %neg3A_295 = arith.constant 0.000000e+00 : f32
      %neg3A_296 = vector.broadcast %neg3A_295 : f32 to vector<16xf32>
      %neg3A_297 = arith.subf %neg3A_296, %select_n3A_288 : vector<16xf32>
      %min3A_298 = arith.minimumf %select_n3A_288, %neg3A_297 : vector<16xf32>
      %exp3A_299 = math.exp %min3A_298 : vector<16xf32>
      %add3A_300 = arith.constant 1.000000e+00 : f32
      %add3A_301 = vector.broadcast %add3A_300 : f32 to vector<16xf32>
      %add3A_302 = arith.addf %add3A_301, %exp3A_299 : vector<16xf32>
      %add3A_303 = arith.constant 1.000000e+00 : f32
      %add3A_304 = vector.broadcast %add3A_303 : f32 to vector<16xf32>
      %add3A_305 = arith.addf %add3A_302, %add3A_304 : vector<16xf32>
      %mul3A_306 = arith.mulf %add3A_302, %add3A_305 : vector<16xf32>
      %div3A_307 = arith.constant 1.000000e+00 : f32
      %div3A_308 = vector.broadcast %div3A_307 : f32 to vector<16xf32>
      %div3A_309 = arith.divf %div3A_308, %mul3A_306 : vector<16xf32>
      %mul3A_310 = arith.mulf %div3A_309, %add3A_305 : vector<16xf32>
      %mul3A_311 = arith.mulf %div3A_309, %add3A_302 : vector<16xf32>
      %mul3A_312 = arith.mulf %exp3A_299, %mul3A_311 : vector<16xf32>
      %mul3A_313 = arith.mulf %mul3A_312, %mul3A_312 : vector<16xf32>
      %mul3A_314 = arith.constant 0.111111112 : f32
      %mul3A_315 = vector.broadcast %mul3A_314 : f32 to vector<16xf32>
      %mul3A_316 = arith.mulf %mul3A_313, %mul3A_315 : vector<16xf32>
      %add3A_317 = arith.constant 0.142857149 : f32
      %add3A_318 = vector.broadcast %add3A_317 : f32 to vector<16xf32>
      %add3A_319 = arith.addf %add3A_318, %mul3A_316 : vector<16xf32>
      %mul3A_320 = arith.mulf %mul3A_313, %add3A_319 : vector<16xf32>
      %add3A_321 = arith.constant 2.000000e-01 : f32
      %add3A_322 = vector.broadcast %add3A_321 : f32 to vector<16xf32>
      %add3A_323 = arith.addf %add3A_322, %mul3A_320 : vector<16xf32>
      %mul3A_324 = arith.mulf %mul3A_313, %add3A_323 : vector<16xf32>
      %add3A_325 = arith.constant 0.333333343 : f32
      %add3A_326 = vector.broadcast %add3A_325 : f32 to vector<16xf32>
      %add3A_327 = arith.addf %add3A_326, %mul3A_324 : vector<16xf32>
      %mul3A_328 = arith.mulf %mul3A_313, %add3A_327 : vector<16xf32>
      %add3A_329 = arith.constant 1.000000e+00 : f32
      %add3A_330 = vector.broadcast %add3A_329 : f32 to vector<16xf32>
      %add3A_331 = arith.addf %add3A_330, %mul3A_328 : vector<16xf32>
      %mul3A_332 = arith.constant 2.000000e+00 : f32
      %mul3A_333 = vector.broadcast %mul3A_332 : f32 to vector<16xf32>
      %mul3A_334 = arith.mulf %mul3A_333, %mul3A_312 : vector<16xf32>
      %mul3A_335 = arith.mulf %mul3A_334, %add3A_331 : vector<16xf32>
      %jit3A_336 = arith.constant 0.000000e+00 : f32
      %broadcast_in_dim3A_337 = vector.broadcast %jit3A_336 : f32 to vector<16xf32>
      %select_n3A_338 = arith.select %ge3A_294, %broadcast_in_dim3A_337, %select_n3A_288 : vector<16xi1>, vector<16xf32>
      %sub3A_339 = arith.subf %mul3A_335, %select_n3A_338 : vector<16xf32>
      %mul3A_340 = arith.mulf %exp3A_299, %mul3A_310 : vector<16xf32>
      %select_n3A_341 = arith.select %ge3A_294, %mul3A_340, %mul3A_310 : vector<16xi1>, vector<16xf32>
      %mul3A_342 = arith.mulf %select_n3A_341, %select_n3A_341 : vector<16xf32>
      %mul3A_343 = arith.mulf %mul3A_291, %mul3A_342 : vector<16xf32>
      %mul3A_344 = arith.mulf %mul3A_343, %sub3A_339 : vector<16xf32>
      %add3A_345 = arith.addf %scan3A_272, %mul3A_344 : vector<16xf32>
      %add3A_346 = arith.constant 16 : i32
      %add3A_347 = arith.addi %add3A_278, %add3A_346 : i32
      %get3A_348 = arith.index_cast %add3A_347 : i32 to index
      %get3A_349 = tpu.vector_load %arg9[%get3A_348] {strides = array<i32>} : memref<31264xi32, #tpu.memory_space<vmem>>, vector<16xi32>,
      %get3A_350 = arith.index_cast %add3A_347 : i32 to index
      %get3A_351 = tpu.vector_load %arg7[%get3A_350] {strides = array<i32>} : memref<31264xf32, #tpu.memory_space<vmem>>, vector<16xf32>,
      %get3A_352 = arith.index_cast %add3A_347 : i32 to index
      %get3A_353 = tpu.vector_load %arg8[%get3A_352] {strides = array<i32>} : memref<31264xf32, #tpu.memory_space<vmem>>, vector<16xf32>,
      %eq3A_354 = arith.constant 0 : i32
      %eq3A_355 = vector.broadcast %eq3A_354 : i32 to vector<16xi32>
      %eq3A_356 = arith.cmpi eq, %get3A_349, %eq3A_355 : vector<16xi32>
      %select_n3A_357 = arith.select %eq3A_356, %get3A_351, %get3A_353 : vector<16xi1>, vector<16xf32>
      %select_n3A_358 = arith.select %eq3A_356, %gather3A, %gather3A_61 : vector<16xi1>, vector<16xf32>
      %mul3A_359 = vector.broadcast %scan3A_182 : f32 to vector<16xf32>
      %mul3A_360 = arith.mulf %select_n3A_358, %mul3A_359 : vector<16xf32>
      %ge3A_361 = arith.constant 0.000000e+00 : f32
      %ge3A_362 = vector.broadcast %ge3A_361 : f32 to vector<16xf32>
      %ge3A_363 = arith.cmpf oge, %select_n3A_357, %ge3A_362 : vector<16xf32>
      %neg3A_364 = arith.constant 0.000000e+00 : f32
      %neg3A_365 = vector.broadcast %neg3A_364 : f32 to vector<16xf32>
      %neg3A_366 = arith.subf %neg3A_365, %select_n3A_357 : vector<16xf32>
      %min3A_367 = arith.minimumf %select_n3A_357, %neg3A_366 : vector<16xf32>
      %exp3A_368 = math.exp %min3A_367 : vector<16xf32>
      %add3A_369 = arith.constant 1.000000e+00 : f32
      %add3A_370 = vector.broadcast %add3A_369 : f32 to vector<16xf32>
      %add3A_371 = arith.addf %add3A_370, %exp3A_368 : vector<16xf32>
      %add3A_372 = arith.constant 1.000000e+00 : f32
      %add3A_373 = vector.broadcast %add3A_372 : f32 to vector<16xf32>
      %add3A_374 = arith.addf %add3A_371, %add3A_373 : vector<16xf32>
      %mul3A_375 = arith.mulf %add3A_371, %add3A_374 : vector<16xf32>
      %div3A_376 = arith.constant 1.000000e+00 : f32
      %div3A_377 = vector.broadcast %div3A_376 : f32 to vector<16xf32>
      %div3A_378 = arith.divf %div3A_377, %mul3A_375 : vector<16xf32>
      %mul3A_379 = arith.mulf %div3A_378, %add3A_374 : vector<16xf32>
      %mul3A_380 = arith.mulf %div3A_378, %add3A_371 : vector<16xf32>
      %mul3A_381 = arith.mulf %exp3A_368, %mul3A_380 : vector<16xf32>
      %mul3A_382 = arith.mulf %mul3A_381, %mul3A_381 : vector<16xf32>
      %mul3A_383 = arith.constant 0.111111112 : f32
      %mul3A_384 = vector.broadcast %mul3A_383 : f32 to vector<16xf32>
      %mul3A_385 = arith.mulf %mul3A_382, %mul3A_384 : vector<16xf32>
      %add3A_386 = arith.constant 0.142857149 : f32
      %add3A_387 = vector.broadcast %add3A_386 : f32 to vector<16xf32>
      %add3A_388 = arith.addf %add3A_387, %mul3A_385 : vector<16xf32>
      %mul3A_389 = arith.mulf %mul3A_382, %add3A_388 : vector<16xf32>
      %add3A_390 = arith.constant 2.000000e-01 : f32
      %add3A_391 = vector.broadcast %add3A_390 : f32 to vector<16xf32>
      %add3A_392 = arith.addf %add3A_391, %mul3A_389 : vector<16xf32>
      %mul3A_393 = arith.mulf %mul3A_382, %add3A_392 : vector<16xf32>
      %add3A_394 = arith.constant 0.333333343 : f32
      %add3A_395 = vector.broadcast %add3A_394 : f32 to vector<16xf32>
      %add3A_396 = arith.addf %add3A_395, %mul3A_393 : vector<16xf32>
      %mul3A_397 = arith.mulf %mul3A_382, %add3A_396 : vector<16xf32>
      %add3A_398 = arith.constant 1.000000e+00 : f32
      %add3A_399 = vector.broadcast %add3A_398 : f32 to vector<16xf32>
      %add3A_400 = arith.addf %add3A_399, %mul3A_397 : vector<16xf32>
      %mul3A_401 = arith.constant 2.000000e+00 : f32
      %mul3A_402 = vector.broadcast %mul3A_401 : f32 to vector<16xf32>
      %mul3A_403 = arith.mulf %mul3A_402, %mul3A_381 : vector<16xf32>
      %mul3A_404 = arith.mulf %mul3A_403, %add3A_400 : vector<16xf32>
      %jit3A_405 = arith.constant 0.000000e+00 : f32
      %broadcast_in_dim3A_406 = vector.broadcast %jit3A_405 : f32 to vector<16xf32>
      %select_n3A_407 = arith.select %ge3A_363, %broadcast_in_dim3A_406, %select_n3A_357 : vector<16xi1>, vector<16xf32>
      %sub3A_408 = arith.subf %mul3A_404, %select_n3A_407 : vector<16xf32>
      %mul3A_409 = arith.mulf %exp3A_368, %mul3A_379 : vector<16xf32>
      %select_n3A_410 = arith.select %ge3A_363, %mul3A_409, %mul3A_379 : vector<16xi1>, vector<16xf32>
      %mul3A_411 = arith.mulf %select_n3A_410, %select_n3A_410 : vector<16xf32>
      %mul3A_412 = arith.mulf %mul3A_360, %mul3A_411 : vector<16xf32>
      %mul3A_413 = arith.mulf %mul3A_412, %sub3A_408 : vector<16xf32>
      %add3A_414 = arith.addf %scan3A_273, %mul3A_413 : vector<16xf32>
      %add3A_415 = arith.constant 32 : i32
      %add3A_416 = arith.addi %add3A_278, %add3A_415 : i32
      %get3A_417 = arith.index_cast %add3A_416 : i32 to index
      %get3A_418 = tpu.vector_load %arg9[%get3A_417] {strides = array<i32>} : memref<31264xi32, #tpu.memory_space<vmem>>, vector<16xi32>,
      %get3A_419 = arith.index_cast %add3A_416 : i32 to index
      %get3A_420 = tpu.vector_load %arg7[%get3A_419] {strides = array<i32>} : memref<31264xf32, #tpu.memory_space<vmem>>, vector<16xf32>,
      %get3A_421 = arith.index_cast %add3A_416 : i32 to index
      %get3A_422 = tpu.vector_load %arg8[%get3A_421] {strides = array<i32>} : memref<31264xf32, #tpu.memory_space<vmem>>, vector<16xf32>,
      %eq3A_423 = arith.constant 0 : i32
      %eq3A_424 = vector.broadcast %eq3A_423 : i32 to vector<16xi32>
      %eq3A_425 = arith.cmpi eq, %get3A_418, %eq3A_424 : vector<16xi32>
      %select_n3A_426 = arith.select %eq3A_425, %get3A_420, %get3A_422 : vector<16xi1>, vector<16xf32>
      %select_n3A_427 = arith.select %eq3A_425, %gather3A, %gather3A_61 : vector<16xi1>, vector<16xf32>
      %mul3A_428 = vector.broadcast %scan3A_182 : f32 to vector<16xf32>
      %mul3A_429 = arith.mulf %select_n3A_427, %mul3A_428 : vector<16xf32>
      %ge3A_430 = arith.constant 0.000000e+00 : f32
      %ge3A_431 = vector.broadcast %ge3A_430 : f32 to vector<16xf32>
      %ge3A_432 = arith.cmpf oge, %select_n3A_426, %ge3A_431 : vector<16xf32>
      %neg3A_433 = arith.constant 0.000000e+00 : f32
      %neg3A_434 = vector.broadcast %neg3A_433 : f32 to vector<16xf32>
      %neg3A_435 = arith.subf %neg3A_434, %select_n3A_426 : vector<16xf32>
      %min3A_436 = arith.minimumf %select_n3A_426, %neg3A_435 : vector<16xf32>
      %exp3A_437 = math.exp %min3A_436 : vector<16xf32>
      %add3A_438 = arith.constant 1.000000e+00 : f32
      %add3A_439 = vector.broadcast %add3A_438 : f32 to vector<16xf32>
      %add3A_440 = arith.addf %add3A_439, %exp3A_437 : vector<16xf32>
      %add3A_441 = arith.constant 1.000000e+00 : f32
      %add3A_442 = vector.broadcast %add3A_441 : f32 to vector<16xf32>
      %add3A_443 = arith.addf %add3A_440, %add3A_442 : vector<16xf32>
      %mul3A_444 = arith.mulf %add3A_440, %add3A_443 : vector<16xf32>
      %div3A_445 = arith.constant 1.000000e+00 : f32
      %div3A_446 = vector.broadcast %div3A_445 : f32 to vector<16xf32>
      %div3A_447 = arith.divf %div3A_446, %mul3A_444 : vector<16xf32>
      %mul3A_448 = arith.mulf %div3A_447, %add3A_443 : vector<16xf32>
      %mul3A_449 = arith.mulf %div3A_447, %add3A_440 : vector<16xf32>
      %mul3A_450 = arith.mulf %exp3A_437, %mul3A_449 : vector<16xf32>
      %mul3A_451 = arith.mulf %mul3A_450, %mul3A_450 : vector<16xf32>
      %mul3A_452 = arith.constant 0.111111112 : f32
      %mul3A_453 = vector.broadcast %mul3A_452 : f32 to vector<16xf32>
      %mul3A_454 = arith.mulf %mul3A_451, %mul3A_453 : vector<16xf32>
      %add3A_455 = arith.constant 0.142857149 : f32
      %add3A_456 = vector.broadcast %add3A_455 : f32 to vector<16xf32>
      %add3A_457 = arith.addf %add3A_456, %mul3A_454 : vector<16xf32>
      %mul3A_458 = arith.mulf %mul3A_451, %add3A_457 : vector<16xf32>
      %add3A_459 = arith.constant 2.000000e-01 : f32
      %add3A_460 = vector.broadcast %add3A_459 : f32 to vector<16xf32>
      %add3A_461 = arith.addf %add3A_460, %mul3A_458 : vector<16xf32>
      %mul3A_462 = arith.mulf %mul3A_451, %add3A_461 : vector<16xf32>
      %add3A_463 = arith.constant 0.333333343 : f32
      %add3A_464 = vector.broadcast %add3A_463 : f32 to vector<16xf32>
      %add3A_465 = arith.addf %add3A_464, %mul3A_462 : vector<16xf32>
      %mul3A_466 = arith.mulf %mul3A_451, %add3A_465 : vector<16xf32>
      %add3A_467 = arith.constant 1.000000e+00 : f32
      %add3A_468 = vector.broadcast %add3A_467 : f32 to vector<16xf32>
      %add3A_469 = arith.addf %add3A_468, %mul3A_466 : vector<16xf32>
      %mul3A_470 = arith.constant 2.000000e+00 : f32
      %mul3A_471 = vector.broadcast %mul3A_470 : f32 to vector<16xf32>
      %mul3A_472 = arith.mulf %mul3A_471, %mul3A_450 : vector<16xf32>
      %mul3A_473 = arith.mulf %mul3A_472, %add3A_469 : vector<16xf32>
      %jit3A_474 = arith.constant 0.000000e+00 : f32
      %broadcast_in_dim3A_475 = vector.broadcast %jit3A_474 : f32 to vector<16xf32>
      %select_n3A_476 = arith.select %ge3A_432, %broadcast_in_dim3A_475, %select_n3A_426 : vector<16xi1>, vector<16xf32>
      %sub3A_477 = arith.subf %mul3A_473, %select_n3A_476 : vector<16xf32>
      %mul3A_478 = arith.mulf %exp3A_437, %mul3A_448 : vector<16xf32>
      %select_n3A_479 = arith.select %ge3A_432, %mul3A_478, %mul3A_448 : vector<16xi1>, vector<16xf32>
      %mul3A_480 = arith.mulf %select_n3A_479, %select_n3A_479 : vector<16xf32>
      %mul3A_481 = arith.mulf %mul3A_429, %mul3A_480 : vector<16xf32>
      %mul3A_482 = arith.mulf %mul3A_481, %sub3A_477 : vector<16xf32>
      %add3A_483 = arith.addf %scan3A_274, %mul3A_482 : vector<16xf32>
      scf.yield %add3A_345, %add3A_414, %add3A_483 : vector<16xf32>, vector<16xf32>, vector<16xf32>
    }
    %scan3A_188 = arith.constant 217 : i32
    %dma_wait3A_189 = arith.constant 31248 : i32
    %dma_wait3A_190 = tpu.memref_slice %arg7[%dma_wait3A_189] : memref<31264xf32, #tpu.memory_space<vmem>> -> memref<16xf32, #tpu.memory_space<vmem>>
    %dma_wait3A_191 = tpu.memref_slice %arg2[%mul3A_34] : memref<2000000xf32, #tpu.memory_space<hbm>> -> memref<16xf32, #tpu.memory_space<hbm>>
    %dma_wait3A_192 = arith.constant 31248 : i32
    %dma_wait3A_193 = tpu.memref_slice %arg7[%dma_wait3A_192] : memref<31264xf32, #tpu.memory_space<vmem>> -> memref<16xf32, #tpu.memory_space<vmem>>
    %dma_wait3A_194 = tpu.memref_slice %arg2[%mul3A_34] : memref<2000000xf32, #tpu.memory_space<hbm>> -> memref<16xf32, #tpu.memory_space<hbm>>
    tpu.wait_dma2 semaphore(%arg16 : memref<!tpu.dma_semaphore, #tpu.memory_space<semaphore_mem>>) src(%dma_wait3A_194 : memref<16xf32, #tpu.memory_space<hbm>>) dst(%dma_wait3A_193 : memref<16xf32, #tpu.memory_space<vmem>>)
    %dma_wait3A_195 = arith.constant 31248 : i32
    %dma_wait3A_196 = tpu.memref_slice %arg8[%dma_wait3A_195] : memref<31264xf32, #tpu.memory_space<vmem>> -> memref<16xf32, #tpu.memory_space<vmem>>
    %dma_wait3A_197 = tpu.memref_slice %arg2[%add3A_42] : memref<2000000xf32, #tpu.memory_space<hbm>> -> memref<16xf32, #tpu.memory_space<hbm>>
    %dma_wait3A_198 = arith.constant 31248 : i32
    %dma_wait3A_199 = tpu.memref_slice %arg8[%dma_wait3A_198] : memref<31264xf32, #tpu.memory_space<vmem>> -> memref<16xf32, #tpu.memory_space<vmem>>
    %dma_wait3A_200 = tpu.memref_slice %arg2[%add3A_42] : memref<2000000xf32, #tpu.memory_space<hbm>> -> memref<16xf32, #tpu.memory_space<hbm>>
    tpu.wait_dma2 semaphore(%arg16 : memref<!tpu.dma_semaphore, #tpu.memory_space<semaphore_mem>>) src(%dma_wait3A_200 : memref<16xf32, #tpu.memory_space<hbm>>) dst(%dma_wait3A_199 : memref<16xf32, #tpu.memory_space<vmem>>)
    %dma_wait3A_201 = arith.constant 31248 : i32
    %dma_wait3A_202 = tpu.memref_slice %arg9[%dma_wait3A_201] : memref<31264xi32, #tpu.memory_space<vmem>> -> memref<16xi32, #tpu.memory_space<vmem>>
    %dma_wait3A_203 = tpu.memref_slice %arg3[%mul3A_34] : memref<1000000xi32, #tpu.memory_space<hbm>> -> memref<16xi32, #tpu.memory_space<hbm>>
    %dma_wait3A_204 = arith.constant 31248 : i32
    %dma_wait3A_205 = tpu.memref_slice %arg9[%dma_wait3A_204] : memref<31264xi32, #tpu.memory_space<vmem>> -> memref<16xi32, #tpu.memory_space<vmem>>
    %dma_wait3A_206 = tpu.memref_slice %arg3[%mul3A_34] : memref<1000000xi32, #tpu.memory_space<hbm>> -> memref<16xi32, #tpu.memory_space<hbm>>
    tpu.wait_dma2 semaphore(%arg16 : memref<!tpu.dma_semaphore, #tpu.memory_space<semaphore_mem>>) src(%dma_wait3A_206 : memref<16xi32, #tpu.memory_space<hbm>>) dst(%dma_wait3A_205 : memref<16xi32, #tpu.memory_space<vmem>>)
    %add3A_207 = arith.addf %scan3A_187#0, %scan3A_187#1 : vector<16xf32>
    %add3A_208 = arith.addf %add3A_207, %scan3A_187#2 : vector<16xf32>
    %get3A = arith.constant 31248 : index
    %get3A_209 = tpu.vector_load %arg9[%get3A] {strides = array<i32>} : memref<31264xi32, #tpu.memory_space<vmem>>, vector<16xi32>,
    %get3A_210 = arith.constant 31248 : index
    %get3A_211 = tpu.vector_load %arg7[%get3A_210] {strides = array<i32>} : memref<31264xf32, #tpu.memory_space<vmem>>, vector<16xf32>,
    %get3A_212 = arith.constant 31248 : index
    %get3A_213 = tpu.vector_load %arg8[%get3A_212] {strides = array<i32>} : memref<31264xf32, #tpu.memory_space<vmem>>, vector<16xf32>,
    %eq3A = arith.constant 0 : i32
    %eq3A_214 = vector.broadcast %eq3A : i32 to vector<16xi32>
    %eq3A_215 = arith.cmpi eq, %get3A_209, %eq3A_214 : vector<16xi32>
    %select_n3A = arith.select %eq3A_215, %get3A_211, %get3A_213 : vector<16xi1>, vector<16xf32>
    %select_n3A_216 = arith.select %eq3A_215, %gather3A, %gather3A_61 : vector<16xi1>, vector<16xf32>
    %mul3A_217 = vector.broadcast %convert_element_type3A_56 : f32 to vector<16xf32>
    %mul3A_218 = arith.mulf %select_n3A_216, %mul3A_217 : vector<16xf32>
    %ge3A = arith.constant 0.000000e+00 : f32
    %ge3A_219 = vector.broadcast %ge3A : f32 to vector<16xf32>
    %ge3A_220 = arith.cmpf oge, %select_n3A, %ge3A_219 : vector<16xf32>
    %neg3A = arith.constant 0.000000e+00 : f32
    %neg3A_221 = vector.broadcast %neg3A : f32 to vector<16xf32>
    %neg3A_222 = arith.subf %neg3A_221, %select_n3A : vector<16xf32>
    %min3A = arith.minimumf %select_n3A, %neg3A_222 : vector<16xf32>
    %exp3A = math.exp %min3A : vector<16xf32>
    %add3A_223 = arith.constant 1.000000e+00 : f32
    %add3A_224 = vector.broadcast %add3A_223 : f32 to vector<16xf32>
    %add3A_225 = arith.addf %add3A_224, %exp3A : vector<16xf32>
    %add3A_226 = arith.constant 1.000000e+00 : f32
    %add3A_227 = vector.broadcast %add3A_226 : f32 to vector<16xf32>
    %add3A_228 = arith.addf %add3A_225, %add3A_227 : vector<16xf32>
    %mul3A_229 = arith.mulf %add3A_225, %add3A_228 : vector<16xf32>
    %div3A = arith.constant 1.000000e+00 : f32
    %div3A_230 = vector.broadcast %div3A : f32 to vector<16xf32>
    %div3A_231 = arith.divf %div3A_230, %mul3A_229 : vector<16xf32>
    %mul3A_232 = arith.mulf %div3A_231, %add3A_228 : vector<16xf32>
    %mul3A_233 = arith.mulf %div3A_231, %add3A_225 : vector<16xf32>
    %mul3A_234 = arith.mulf %exp3A, %mul3A_233 : vector<16xf32>
    %mul3A_235 = arith.mulf %mul3A_234, %mul3A_234 : vector<16xf32>
    %mul3A_236 = arith.constant 0.111111112 : f32
    %mul3A_237 = vector.broadcast %mul3A_236 : f32 to vector<16xf32>
    %mul3A_238 = arith.mulf %mul3A_235, %mul3A_237 : vector<16xf32>
    %add3A_239 = arith.constant 0.142857149 : f32
    %add3A_240 = vector.broadcast %add3A_239 : f32 to vector<16xf32>
    %add3A_241 = arith.addf %add3A_240, %mul3A_238 : vector<16xf32>
    %mul3A_242 = arith.mulf %mul3A_235, %add3A_241 : vector<16xf32>
    %add3A_243 = arith.constant 2.000000e-01 : f32
    %add3A_244 = vector.broadcast %add3A_243 : f32 to vector<16xf32>
    %add3A_245 = arith.addf %add3A_244, %mul3A_242 : vector<16xf32>
    %mul3A_246 = arith.mulf %mul3A_235, %add3A_245 : vector<16xf32>
    %add3A_247 = arith.constant 0.333333343 : f32
    %add3A_248 = vector.broadcast %add3A_247 : f32 to vector<16xf32>
    %add3A_249 = arith.addf %add3A_248, %mul3A_246 : vector<16xf32>
    %mul3A_250 = arith.mulf %mul3A_235, %add3A_249 : vector<16xf32>
    %add3A_251 = arith.constant 1.000000e+00 : f32
    %add3A_252 = vector.broadcast %add3A_251 : f32 to vector<16xf32>
    %add3A_253 = arith.addf %add3A_252, %mul3A_250 : vector<16xf32>
    %mul3A_254 = arith.constant 2.000000e+00 : f32
    %mul3A_255 = vector.broadcast %mul3A_254 : f32 to vector<16xf32>
    %mul3A_256 = arith.mulf %mul3A_255, %mul3A_234 : vector<16xf32>
    %mul3A_257 = arith.mulf %mul3A_256, %add3A_253 : vector<16xf32>
    %jit3A = arith.constant 0.000000e+00 : f32
    %broadcast_in_dim3A_258 = vector.broadcast %jit3A : f32 to vector<16xf32>
    %select_n3A_259 = arith.select %ge3A_220, %broadcast_in_dim3A_258, %select_n3A : vector<16xi1>, vector<16xf32>
    %sub3A = arith.subf %mul3A_257, %select_n3A_259 : vector<16xf32>
    %mul3A_260 = arith.mulf %exp3A, %mul3A_232 : vector<16xf32>
    %select_n3A_261 = arith.select %ge3A_220, %mul3A_260, %mul3A_232 : vector<16xi1>, vector<16xf32>
    %mul3A_262 = arith.mulf %select_n3A_261, %select_n3A_261 : vector<16xf32>
    %mul3A_263 = arith.mulf %mul3A_218, %mul3A_262 : vector<16xf32>
    %mul3A_264 = arith.mulf %mul3A_263, %sub3A : vector<16xf32>
    %add3A_265 = arith.addf %add3A_208, %mul3A_264 : vector<16xf32>
    %swap3A = arith.constant 0 : index
    %swap3A_266 = tpu.vector_load %arg11[%swap3A] {strides = array<i32>} : memref<16xf32, #tpu.memory_space<vmem>>, vector<16xf32>,
    tpu.vector_store %arg11[%swap3A], %add3A_265 {strides = array<i32>} : memref<16xf32, #tpu.memory_space<vmem>>, vector<16xf32>,
    "tpu.region"() ({
      %run_scoped3A = tpu.sem_alloc : memref<!tpu.dma_semaphore, #tpu.memory_space<semaphore_mem>>
      %dma_start3A_271 = arith.constant 0 : i32
      %dma_start3A_272 = tpu.memref_slice %arg5[%arg0, %arg1, %dma_start3A_271] : memref<2x16x16xf32, #tpu.memory_space<hbm>> -> memref<1x1x16xf32, #tpu.memory_space<hbm>>
      %dma_start3A_273 = tpu.memref_squeeze %dma_start3A_272 : memref<1x1x16xf32, #tpu.memory_space<hbm>> -> memref<16xf32, #tpu.memory_space<hbm>>
      %dma_start3A_274 = arith.constant 0 : i32
      %dma_start3A_275 = tpu.memref_slice %arg5[%arg0, %arg1, %dma_start3A_274] : memref<2x16x16xf32, #tpu.memory_space<hbm>> -> memref<1x1x16xf32, #tpu.memory_space<hbm>>
      %dma_start3A_276 = tpu.memref_squeeze %dma_start3A_275 : memref<1x1x16xf32, #tpu.memory_space<hbm>> -> memref<16xf32, #tpu.memory_space<hbm>>
      tpu.enqueue_dma source(%arg11 : memref<16xf32, #tpu.memory_space<vmem>>) target(%dma_start3A_276 : memref<16xf32, #tpu.memory_space<hbm>>) target_semaphore(%run_scoped3A : memref<!tpu.dma_semaphore, #tpu.memory_space<semaphore_mem>>)
      %dma_wait3A_277 = arith.constant 0 : i32
      %dma_wait3A_278 = tpu.memref_slice %arg5[%arg0, %arg1, %dma_wait3A_277] : memref<2x16x16xf32, #tpu.memory_space<hbm>> -> memref<1x1x16xf32, #tpu.memory_space<hbm>>
      %dma_wait3A_279 = tpu.memref_squeeze %dma_wait3A_278 : memref<1x1x16xf32, #tpu.memory_space<hbm>> -> memref<16xf32, #tpu.memory_space<hbm>>
      %dma_wait3A_280 = arith.constant 0 : i32
      %dma_wait3A_281 = tpu.memref_slice %arg5[%arg0, %arg1, %dma_wait3A_280] : memref<2x16x16xf32, #tpu.memory_space<hbm>> -> memref<1x1x16xf32, #tpu.memory_space<hbm>>
      %dma_wait3A_282 = tpu.memref_squeeze %dma_wait3A_281 : memref<1x1x16xf32, #tpu.memory_space<hbm>> -> memref<16xf32, #tpu.memory_space<hbm>>
      tpu.wait_dma2 semaphore(%run_scoped3A : memref<!tpu.dma_semaphore, #tpu.memory_space<semaphore_mem>>) src(%arg11 : memref<16xf32, #tpu.memory_space<vmem>>) dst(%dma_wait3A_282 : memref<16xf32, #tpu.memory_space<hbm>>)
      tpu.yield
    }) : () -> ()
    %barrier3A = arith.constant 0 : index
    tpu.barrier barrier_id(%barrier3A)
    %eq3A_267 = arith.constant 0 : i32
    %eq3A_268 = arith.cmpi eq, %arg1, %eq3A_267 : i32
    %convert_element_type3A_269 = arith.extui %eq3A_268 : i1 to i32
    %cond3A = arith.constant 0 : i32
    %cond3A_270 = arith.cmpi ne, %convert_element_type3A_269, %cond3A : i32
    scf.if %cond3A_270 {
      "tpu.region"() ({
        %run_scoped3A = tpu.sem_alloc : memref<!tpu.dma_semaphore, #tpu.memory_space<semaphore_mem>>
        %dma_start3A_358 = arith.constant 0 : i32
        %dma_start3A_359 = arith.constant 0 : i32
        %dma_start3A_360 = tpu.memref_slice %arg5[%arg0, %dma_start3A_358, %dma_start3A_359] : memref<2x16x16xf32, #tpu.memory_space<hbm>> -> memref<1x16x16xf32, #tpu.memory_space<hbm>>
        %dma_start3A_361 = tpu.memref_squeeze %dma_start3A_360 : memref<1x16x16xf32, #tpu.memory_space<hbm>> -> memref<16x16xf32, #tpu.memory_space<hbm>>
        %dma_start3A_362 = arith.constant 0 : i32
        %dma_start3A_363 = arith.constant 0 : i32
        %dma_start3A_364 = tpu.memref_slice %arg5[%arg0, %dma_start3A_362, %dma_start3A_363] : memref<2x16x16xf32, #tpu.memory_space<hbm>> -> memref<1x16x16xf32, #tpu.memory_space<hbm>>
        %dma_start3A_365 = tpu.memref_squeeze %dma_start3A_364 : memref<1x16x16xf32, #tpu.memory_space<hbm>> -> memref<16x16xf32, #tpu.memory_space<hbm>>
        tpu.enqueue_dma source(%dma_start3A_365 : memref<16x16xf32, #tpu.memory_space<hbm>>) target(%arg12 : memref<16x16xf32, #tpu.memory_space<vmem>>) target_semaphore(%run_scoped3A : memref<!tpu.dma_semaphore, #tpu.memory_space<semaphore_mem>>)
        %dma_wait3A_366 = arith.constant 0 : i32
        %dma_wait3A_367 = arith.constant 0 : i32
        %dma_wait3A_368 = tpu.memref_slice %arg5[%arg0, %dma_wait3A_366, %dma_wait3A_367] : memref<2x16x16xf32, #tpu.memory_space<hbm>> -> memref<1x16x16xf32, #tpu.memory_space<hbm>>
        %dma_wait3A_369 = tpu.memref_squeeze %dma_wait3A_368 : memref<1x16x16xf32, #tpu.memory_space<hbm>> -> memref<16x16xf32, #tpu.memory_space<hbm>>
        %dma_wait3A_370 = arith.constant 0 : i32
        %dma_wait3A_371 = arith.constant 0 : i32
        %dma_wait3A_372 = tpu.memref_slice %arg5[%arg0, %dma_wait3A_370, %dma_wait3A_371] : memref<2x16x16xf32, #tpu.memory_space<hbm>> -> memref<1x16x16xf32, #tpu.memory_space<hbm>>
        %dma_wait3A_373 = tpu.memref_squeeze %dma_wait3A_372 : memref<1x16x16xf32, #tpu.memory_space<hbm>> -> memref<16x16xf32, #tpu.memory_space<hbm>>
        tpu.wait_dma2 semaphore(%run_scoped3A : memref<!tpu.dma_semaphore, #tpu.memory_space<semaphore_mem>>) src(%dma_wait3A_373 : memref<16x16xf32, #tpu.memory_space<hbm>>) dst(%arg12 : memref<16x16xf32, #tpu.memory_space<vmem>>)
        tpu.yield
      }) : () -> ()
      %get3A_271 = arith.constant 0 : i32
      %get3A_272 = arith.index_cast %get3A_271 : i32 to index
      %get3A_273 = arith.constant 0 : index
      %get3A_274 = tpu.vector_load %arg12[%get3A_272, %get3A_273] {strides = array<i32>} : memref<16x16xf32, #tpu.memory_space<vmem>>, vector<16xf32>,
      %get3A_275 = arith.constant 1 : i32
      %get3A_276 = arith.index_cast %get3A_275 : i32 to index
      %get3A_277 = arith.constant 0 : index
      %get3A_278 = tpu.vector_load %arg12[%get3A_276, %get3A_277] {strides = array<i32>} : memref<16x16xf32, #tpu.memory_space<vmem>>, vector<16xf32>,
      %add3A_279 = arith.addf %get3A_274, %get3A_278 : vector<16xf32>
      %get3A_280 = arith.constant 2 : i32
      %get3A_281 = arith.index_cast %get3A_280 : i32 to index
      %get3A_282 = arith.constant 0 : index
      %get3A_283 = tpu.vector_load %arg12[%get3A_281, %get3A_282] {strides = array<i32>} : memref<16x16xf32, #tpu.memory_space<vmem>>, vector<16xf32>,
      %add3A_284 = arith.addf %add3A_279, %get3A_283 : vector<16xf32>
      %get3A_285 = arith.constant 3 : i32
      %get3A_286 = arith.index_cast %get3A_285 : i32 to index
      %get3A_287 = arith.constant 0 : index
      %get3A_288 = tpu.vector_load %arg12[%get3A_286, %get3A_287] {strides = array<i32>} : memref<16x16xf32, #tpu.memory_space<vmem>>, vector<16xf32>,
      %add3A_289 = arith.addf %add3A_284, %get3A_288 : vector<16xf32>
      %get3A_290 = arith.constant 4 : i32
      %get3A_291 = arith.index_cast %get3A_290 : i32 to index
      %get3A_292 = arith.constant 0 : index
      %get3A_293 = tpu.vector_load %arg12[%get3A_291, %get3A_292] {strides = array<i32>} : memref<16x16xf32, #tpu.memory_space<vmem>>, vector<16xf32>,
      %add3A_294 = arith.addf %add3A_289, %get3A_293 : vector<16xf32>
      %get3A_295 = arith.constant 5 : i32
      %get3A_296 = arith.index_cast %get3A_295 : i32 to index
      %get3A_297 = arith.constant 0 : index
      %get3A_298 = tpu.vector_load %arg12[%get3A_296, %get3A_297] {strides = array<i32>} : memref<16x16xf32, #tpu.memory_space<vmem>>, vector<16xf32>,
      %add3A_299 = arith.addf %add3A_294, %get3A_298 : vector<16xf32>
      %get3A_300 = arith.constant 6 : i32
      %get3A_301 = arith.index_cast %get3A_300 : i32 to index
      %get3A_302 = arith.constant 0 : index
      %get3A_303 = tpu.vector_load %arg12[%get3A_301, %get3A_302] {strides = array<i32>} : memref<16x16xf32, #tpu.memory_space<vmem>>, vector<16xf32>,
      %add3A_304 = arith.addf %add3A_299, %get3A_303 : vector<16xf32>
      %get3A_305 = arith.constant 7 : i32
      %get3A_306 = arith.index_cast %get3A_305 : i32 to index
      %get3A_307 = arith.constant 0 : index
      %get3A_308 = tpu.vector_load %arg12[%get3A_306, %get3A_307] {strides = array<i32>} : memref<16x16xf32, #tpu.memory_space<vmem>>, vector<16xf32>,
      %add3A_309 = arith.addf %add3A_304, %get3A_308 : vector<16xf32>
      %get3A_310 = arith.constant 8 : i32
      %get3A_311 = arith.index_cast %get3A_310 : i32 to index
      %get3A_312 = arith.constant 0 : index
      %get3A_313 = tpu.vector_load %arg12[%get3A_311, %get3A_312] {strides = array<i32>} : memref<16x16xf32, #tpu.memory_space<vmem>>, vector<16xf32>,
      %add3A_314 = arith.addf %add3A_309, %get3A_313 : vector<16xf32>
      %get3A_315 = arith.constant 9 : i32
      %get3A_316 = arith.index_cast %get3A_315 : i32 to index
      %get3A_317 = arith.constant 0 : index
      %get3A_318 = tpu.vector_load %arg12[%get3A_316, %get3A_317] {strides = array<i32>} : memref<16x16xf32, #tpu.memory_space<vmem>>, vector<16xf32>,
      %add3A_319 = arith.addf %add3A_314, %get3A_318 : vector<16xf32>
      %get3A_320 = arith.constant 10 : i32
      %get3A_321 = arith.index_cast %get3A_320 : i32 to index
      %get3A_322 = arith.constant 0 : index
      %get3A_323 = tpu.vector_load %arg12[%get3A_321, %get3A_322] {strides = array<i32>} : memref<16x16xf32, #tpu.memory_space<vmem>>, vector<16xf32>,
      %add3A_324 = arith.addf %add3A_319, %get3A_323 : vector<16xf32>
      %get3A_325 = arith.constant 11 : i32
      %get3A_326 = arith.index_cast %get3A_325 : i32 to index
      %get3A_327 = arith.constant 0 : index
      %get3A_328 = tpu.vector_load %arg12[%get3A_326, %get3A_327] {strides = array<i32>} : memref<16x16xf32, #tpu.memory_space<vmem>>, vector<16xf32>,
      %add3A_329 = arith.addf %add3A_324, %get3A_328 : vector<16xf32>
      %get3A_330 = arith.constant 12 : i32
      %get3A_331 = arith.index_cast %get3A_330 : i32 to index
      %get3A_332 = arith.constant 0 : index
      %get3A_333 = tpu.vector_load %arg12[%get3A_331, %get3A_332] {strides = array<i32>} : memref<16x16xf32, #tpu.memory_space<vmem>>, vector<16xf32>,
      %add3A_334 = arith.addf %add3A_329, %get3A_333 : vector<16xf32>
      %get3A_335 = arith.constant 13 : i32
      %get3A_336 = arith.index_cast %get3A_335 : i32 to index
      %get3A_337 = arith.constant 0 : index
      %get3A_338 = tpu.vector_load %arg12[%get3A_336, %get3A_337] {strides = array<i32>} : memref<16x16xf32, #tpu.memory_space<vmem>>, vector<16xf32>,
      %add3A_339 = arith.addf %add3A_334, %get3A_338 : vector<16xf32>
      %get3A_340 = arith.constant 14 : i32
      %get3A_341 = arith.index_cast %get3A_340 : i32 to index
      %get3A_342 = arith.constant 0 : index
      %get3A_343 = tpu.vector_load %arg12[%get3A_341, %get3A_342] {strides = array<i32>} : memref<16x16xf32, #tpu.memory_space<vmem>>, vector<16xf32>,
      %add3A_344 = arith.addf %add3A_339, %get3A_343 : vector<16xf32>
      %get3A_345 = arith.constant 15 : i32
      %get3A_346 = arith.index_cast %get3A_345 : i32 to index
      %get3A_347 = arith.constant 0 : index
      %get3A_348 = tpu.vector_load %arg12[%get3A_346, %get3A_347] {strides = array<i32>} : memref<16x16xf32, #tpu.memory_space<vmem>>, vector<16xf32>,
      %add3A_349 = arith.addf %add3A_344, %get3A_348 : vector<16xf32>
      %reduce_sum3A = arith.constant true
      %reduce_sum3A_350 = vector.broadcast %reduce_sum3A : i1 to vector<16xi1>
      %reduce_sum3A_351 = tpu.scan <sum>, %add3A_349 masked %reduce_sum3A_350 : vector<16xf32>, vector<16xi1> -> vector<16xf32>
      %reduce_sum3A_352 = vector.extract %reduce_sum3A_351[15] : f32 from vector<16xf32>
      %mul3A_353 = arith.constant 9.99999997E-7 : f32
      %mul3A_354 = arith.mulf %reduce_sum3A_352, %mul3A_353 : f32
      %broadcast_in_dim3A_355 = vector.broadcast %mul3A_354 : f32 to vector<16xf32>
      %swap3A_356 = arith.constant 0 : index
      %swap3A_357 = tpu.vector_load %arg11[%swap3A_356] {strides = array<i32>} : memref<16xf32, #tpu.memory_space<vmem>>, vector<16xf32>,
      tpu.vector_store %arg11[%swap3A_356], %broadcast_in_dim3A_355 {strides = array<i32>} : memref<16xf32, #tpu.memory_space<vmem>>, vector<16xf32>,
      "tpu.region"() ({
        %run_scoped3A = tpu.sem_alloc : memref<!tpu.dma_semaphore, #tpu.memory_space<semaphore_mem>>
        %dma_start3A_358 = arith.constant 0 : i32
        %dma_start3A_359 = tpu.memref_slice %arg6[%arg0, %dma_start3A_358] : memref<2x16xf32, #tpu.memory_space<hbm>> -> memref<1x16xf32, #tpu.memory_space<hbm>>
        %dma_start3A_360 = tpu.memref_squeeze %dma_start3A_359 : memref<1x16xf32, #tpu.memory_space<hbm>> -> memref<16xf32, #tpu.memory_space<hbm>>
        %dma_start3A_361 = arith.constant 0 : i32
        %dma_start3A_362 = tpu.memref_slice %arg6[%arg0, %dma_start3A_361] : memref<2x16xf32, #tpu.memory_space<hbm>> -> memref<1x16xf32, #tpu.memory_space<hbm>>
        %dma_start3A_363 = tpu.memref_squeeze %dma_start3A_362 : memref<1x16xf32, #tpu.memory_space<hbm>> -> memref<16xf32, #tpu.memory_space<hbm>>
        tpu.enqueue_dma source(%arg11 : memref<16xf32, #tpu.memory_space<vmem>>) target(%dma_start3A_363 : memref<16xf32, #tpu.memory_space<hbm>>) target_semaphore(%run_scoped3A : memref<!tpu.dma_semaphore, #tpu.memory_space<semaphore_mem>>)
        %dma_wait3A_364 = arith.constant 0 : i32
        %dma_wait3A_365 = tpu.memref_slice %arg6[%arg0, %dma_wait3A_364] : memref<2x16xf32, #tpu.memory_space<hbm>> -> memref<1x16xf32, #tpu.memory_space<hbm>>
        %dma_wait3A_366 = tpu.memref_squeeze %dma_wait3A_365 : memref<1x16xf32, #tpu.memory_space<hbm>> -> memref<16xf32, #tpu.memory_space<hbm>>
        %dma_wait3A_367 = arith.constant 0 : i32
        %dma_wait3A_368 = tpu.memref_slice %arg6[%arg0, %dma_wait3A_367] : memref<2x16xf32, #tpu.memory_space<hbm>> -> memref<1x16xf32, #tpu.memory_space<hbm>>
        %dma_wait3A_369 = tpu.memref_squeeze %dma_wait3A_368 : memref<1x16xf32, #tpu.memory_space<hbm>> -> memref<16xf32, #tpu.memory_space<hbm>>
        tpu.wait_dma2 semaphore(%run_scoped3A : memref<!tpu.dma_semaphore, #tpu.memory_space<semaphore_mem>>) src(%arg11 : memref<16xf32, #tpu.memory_space<vmem>>) dst(%dma_wait3A_369 : memref<16xf32, #tpu.memory_space<hbm>>)
        tpu.yield
      }) : () -> ()
    } else {
    }
    return
  }
}

</mosaic_0001>

<sc_bundles>
// kernel: kernel.3.cloned.1.call-start
scs
__scs_entry_jumppad:
0x0: {  	(pc) =	sbr.rel $0x88, $3  }
0x1: {  	(tag) =	ssettag $0x0;
	lr =	simm.s32 $0x1  }
0x2: {  	[smem:$0x3F9E] =	sst lr;
	_ =	strace $0xD0000000  }
0x3: {  	_ = 	snop  }
0x4: {  	_ = 	snop  }
0x5: {  	_ = 	snop  }
0x6: {  	_ = 	snop  }
0x7: {  	_ = 	snop  }
__scs_overlays_trampoline_lowered:
0x8: {  	[smem:$0x3FAD] =	sst s0  }
0x9: {  	[smem:$0x3FAE] =	sst s1  }
0xa: {  	[smem:$0x3FAF] =	sst s2  }
0xb: {  	[smem:$0x3FB0] =	sst s3  }
0xc: {  	[smem:$0x3FB1] =	sst s4  }
0xd: {  	[smem:$0x3FB2] =	sst s5  }
0xe: {  	[smem:$0x3FB3] =	sst s6  }
0xf: {  	[smem:$0x3FB4] =	sst s7  }
0x10: {  	[smem:$0x3FB5] =	sst s8  }
0x11: {  	[smem:$0x3FB6] =	sst s9;
	s0 =	simm.s32 @!p0 $0x0  }
0x12: {  	s1 =	sld [smem:$0x3F9C];
	s0 =	simm.s32 @p0 $0x1  }
0x13: {  	[smem:$0x3FB7] =	sst s0;
	s0 =	simm.s32 @!p1 $0x0  }
0x14: {  	s2 =	sld [smem:$0x3F9B];
	s0 =	simm.s32 @p1 $0x1  }
0x15: {  	[smem:$0x3FB8] =	sst s0;
	s0 =	simm.s32 @!p2 $0x0  }
0x16: {  	s3 =	sld [smem:$0x3FDB];
	s0 =	simm.s32 @p2 $0x1  }
0x17: {  	s4 =	simm.s32 $0x1BF5;
	[smem:$0x3FBA] =	sst s0  }
0x18: {  	s0 =	sld [smem:$0x3F9D];
	_ =	swait.ge [sflag:s4], $0x0  }
0x19: {  	s7 =	sld [smem:$0x3F9E]  }
0x1a: {  	s8 =	sadd.s32 $0xFFFFE003, lr  }
0x1b: {  	s9 =	sadd.s32 $0xFFFFFEF7, lr;
	s5 =	simm.s32 $0xFFFFFFFF;
	p2 =	slt.u32 s8, $0xFFFFF086  }
0x1c: {  	p1 =	slt.u32 s9, $0xF7A;
	s5 =	simm.s32 @!p2 $0x0  }
0x1d: {  	s5 =	simm.s32 @p1 $0x1;
	p0 =	seq.s32 s7, s2  }
0x1e: {  	s7 =	smul.u32 @!p0 $0xF7A, s2;
	p2 =	seq.s32 @!p0 s5, $0x0  }
0x1f: {  	s9 =	smul.u32 $0xF7A, s1;
	s8 =	simm.s32 @!p0 $0x1BF5;
	p2 =	por !p2, p0  }
0x20: {  	[sflag:s8] =	ssyncset.s32 @!p0 $0xFFFFF086;
	s6 =	sadd.s32 @!p0 s3, s7;
	s7 =	simm.s32 @!p0 $0x108  }
0x21: {  	s3 =	sadd.s32 s3, s9;
	s6 =	sadd.s32 @!p0 $0x88, s6;
	s7 =	simm.s32 @p2 $0x1082  }
0x22: {  	[simem:s7], [sflag:s8] =	dma.local @!p0 [hbm:s6], $0xF7A  }
0x23: {  	s9 =	sor.u32 $0xD0000000, s2;
	s6 =	simm.s32 $0x108;
	_ =	swait.ge @!p0 [sflag:s8], $0x0  }
0x24: {  	s3 =	sadd.s32 $0x88, s3;
	s6 =	simm.s32 @!p1 $0x1082;
	[sflag:s4] =	ssyncset.s32 $0xFFFFF086  }
0x25: {  	[simem:s6], [sflag:s4] =	dma.local [hbm:s3], $0xF7A  }
0x26: {  	[smem:$0x3F9E] =	sst s1;
	(tag) =	ssettag s2;
	_ =	strace s9  }
0x27: {  	s1 =	sld [smem:$0x3FAE]  }
0x28: {  	s2 =	sld [smem:$0x3FAF]  }
0x29: {  	s4 =	sld [smem:$0x3FB1]  }
0x2a: {  	p0 =	seq.s32 s5, $0x0;
	s5 =	sld [smem:$0x3FB2]  }
0x2b: {  	s6 =	sld [smem:$0x3FB3]  }
0x2c: {  	s7 =	sld [smem:$0x3FB4]  }
0x2d: {  	s3 =	simm.s32 $0x108;
	s8 =	sld [smem:$0x3FB5]  }
0x2e: {  	s3 =	simm.s32 @!p0 $0x1082;
	s9 =	sld [smem:$0x3FB6]  }
0x2f: {  	lr =	sadd.s32 s0, s3;
	s0 =	sld [smem:$0x3FAD]  }
0x30: {  	s3 =	sld [smem:$0x3FB0]  }
0x31: {  	[smem:$0x3FB9] =	sst s10  }
0x32: {  	s10 =	sld [smem:$0x3FB7];
	_ =	sdelay $0x3  }
0x33: {  	p0 =	seq.s32 s10, $0x1;
	s10 =	sld [smem:$0x3FB9];
	_ =	sdelay $0x3  }
0x34: {  	[smem:$0x3FB9] =	sst s10  }
0x35: {  	s10 =	sld [smem:$0x3FB8];
	_ =	sdelay $0x3  }
0x36: {  	p1 =	seq.s32 s10, $0x1;
	s10 =	sld [smem:$0x3FB9];
	_ =	sdelay $0x3  }
0x37: {  	[smem:$0x3FB9] =	sst s10  }
0x38: {  	s10 =	sld [smem:$0x3FBA]  }
0x39: {  	_ = 	snop;
	(pc) =	sbr.ind lr, $3  }
0x3a: {  	_ = 	snop  }
0x3b: {  	_ = 	snop  }
0x3c: {  	p2 =	seq.s32 s10, $0x1;
	s10 =	sld [smem:$0x3FB9]  }
0x3d: {  	_ =	shalt  }
0x3e: {  	_ =	shalt  }
0x3f: {  	_ =	shalt  }
0x40: {  	_ =	shalt  }
0x41: {  	_ =	shalt  }
0x42: {  	_ =	shalt  }
0x43: {  	_ =	shalt  }
0x44: {  	_ =	shalt  }
0x45: {  	_ =	shalt  }
0x46: {  	_ =	shalt  }
0x47: {  	_ =	shalt  }
0x48: {  	_ =	shalt  }
0x49: {  	_ =	shalt  }
0x4a: {  	_ =	shalt  }
0x4b: {  	_ =	shalt  }
0x4c: {  	_ =	shalt  }
0x4d: {  	_ =	shalt  }
0x4e: {  	_ =	shalt  }
0x4f: {  	_ =	shalt  }
0x50: {  	_ =	shalt  }
0x51: {  	_ =	shalt  }
0x52: {  	_ =	shalt  }
0x53: {  	_ =	shalt  }
0x54: {  	_ =	shalt  }
0x55: {  	_ =	shalt  }
0x56: {  	_ =	shalt  }
0x57: {  	_ =	shalt  }
0x58: {  	_ =	shalt  }
0x59: {  	_ =	shalt  }
0x5a: {  	_ =	shalt  }
0x5b: {  	_ =	shalt  }
0x5c: {  	_ =	shalt  }
0x5d: {  	_ =	shalt  }
0x5e: {  	_ =	shalt  }
0x5f: {  	_ =	shalt  }
0x60: {  	_ =	shalt  }
0x61: {  	_ =	shalt  }
0x62: {  	_ =	shalt  }
0x63: {  	_ =	shalt  }
0x64: {  	_ =	shalt  }
0x65: {  	_ =	shalt  }
0x66: {  	_ =	shalt  }
0x67: {  	_ =	shalt  }
0x68: {  	_ =	shalt  }
0x69: {  	_ =	shalt  }
0x6a: {  	_ =	shalt  }
0x6b: {  	_ =	shalt  }
0x6c: {  	_ =	shalt  }
0x6d: {  	_ =	shalt  }
0x6e: {  	_ =	shalt  }
0x6f: {  	_ =	shalt  }
0x70: {  	_ =	shalt  }
0x71: {  	_ =	shalt  }
0x72: {  	_ =	shalt  }
0x73: {  	_ =	shalt  }
0x74: {  	_ =	shalt  }
0x75: {  	_ =	shalt  }
0x76: {  	_ =	shalt  }
0x77: {  	_ =	shalt  }
0x78: {  	_ =	shalt  }
0x79: {  	_ =	shalt  }
0x7a: {  	_ =	shalt  }
0x7b: {  	_ =	shalt  }
0x7c: {  	_ =	shalt  }
0x7d: {  	_ =	shalt  }
0x7e: {  	_ =	shalt  }
0x7f: {  	_ =	shalt  }
0x80: {  	_ =	shalt  }
0x81: {  	_ =	shalt  }
0x82: {  	_ =	shalt  }
0x83: {  	_ =	shalt  }
0x84: {  	_ =	shalt  }
0x85: {  	_ =	shalt  }
0x86: {  	_ =	shalt  }
0x87: {  	_ =	shalt  }
.Lfunc_end0:
.L_simem_size_0:
called_computation_lowered:
.L_overlay_start_0:
0x88: {  	s2 =	sld [smem:$0x3FD9]  }
0x89: {  	s3 =	sld [smem:$0x3FFE];
	_ =	sdelay $0x1  }
0x8a: {  	s1 =	srdreg.scid  }
0x8b: {  	s0 =	sand.u32 $0x1, s1  }
0x8c: {  	s17 =	sshll.u32 s0, $0xA;
	s2 =	sadd.s32 s3, s2  }
0x8d: {  	s2 =	sadd.s32 s2, s17  }
0x8e: {  	[smem:$0x3FC5] =	sst s2  }
0x8f: {  	_ = 	snop  }
0x90: {  	s2 =	sld [smem:$0x3FC8]  }
0x91: {  	s18 =	sld [smem:$0x3FC7];
	(tm) =	ssettm $0x1  }
0x92: {  	s4 =	sld [smem:$0x3FFB];
	_ =	sdelay $0x3  }
0x93: {  	_ =	strace s4  }
0x94: {  	s4 =	sld [smem:$0x3FFC];
	_ =	sdelay $0x3  }
0x95: {  	_ =	strace s4  }
0x96: {  	s4 =	sld [smem:$0x3FFD];
	_ =	sdelay $0x3  }
0x97: {  	_ =	strace s4  }
0x98: {  	_ =	strace $0x8FFFFFFF  }
0x99: {  	s19 =	sld [smem:$0x3FDB];
	_ =	sdelay $0x1  }
0x9a: {  	s5 =	simm.s32 $_scs_section_size  }
0x9b: {  	s6 =	simm.s32 $_size__tile_overlayer_lowered;
	s7 =	simm.s32 $_tile_overlayer_lowered  }
0x9c: {  	s22 =	simm.s32 $0x1BFF;
	s21 =	sshll.u32 s7, $0x1;
	s4 =	sadd.s32 s5, s19  }
0x9d: {  	s8 =	simm.s32 $0x0;
	s20 =	sshll.u32 s6, $0x1;
	s6 =	sadd.s32 s21, s4  }
0x9e: {  	[timem:s8], [sflag:s22] =	dma.local [hbm:s6], s20  }
0x9f: {  	_ =	swait.ge [sflag:s22], s20  }
0xa0: {  	s5 =	ssub.s32 $0x0, s20;
	[sflag:s22] =	ssyncset.done $0x0  }
0xa1: {  	[sflag:s22] =	ssyncadd.s32 s5;
	_ =	sdelay $0x1  }
0xa2: {  	s23 =	simm.s32 $0x1B8B  }
0xa3: {  	_ =	swait.ge [sflag:s23], $0x1  }
0xa4: {  	[sflag:s23] =	ssyncset.done $0x0  }
0xa5: {  	s25 =	simm.s32 $0x1B8E;
	s24 =	sld [smem:$0x3FFE];
	[sflag:s23] =	ssyncadd.s32 $0xFFFFFFFF  }
0xa6: {  	s26 =	simm.s32 $execute0_lowered;
	[smem:$0x3FD2] =	sst s25  }
0xa7: {  	s6 =	sshll.u32 s26, $0x1;
	_ =	strace $0x80000046;
	[dreg:$0x1] =	wrdreg $0xFFFFFFFF  }
0xa8: {  	s28 =	simm.s32 $_size_execute0_lowered;
	s4 =	sadd.s32 s4, s6;
	[dreg:$0x0] =	wrdreg $0x0  }
0xa9: {  	s6 =	sshll.u32 s28, $0x1;
	[dreg:$0x2] =	wrdreg s4  }
0xaa: {  	[dreg:$0x3] =	wrdreg s6  }
0xab: {  	[dreg:$0x4] =	wrdreg $0xC0  }
0xac: {  	_ =	task [dreg:s8], $0x5FFFF  }
0xad: {  	[dreg:$0x1] =	wrdreg $0xFFFFFFFF  }
0xae: {  	[dreg:$0x0] =	wrdreg $0x60  }
0xaf: {  	[dreg:$0x2] =	wrdreg s24  }
0xb0: {  	[dreg:$0x3] =	wrdreg s2  }
0xb1: {  	[dreg:$0x4] =	wrdreg s18  }
0xb2: {  	[dreg:$0x5] =	wrdreg $0x9  }
0xb3: {  	_ =	task.clear_ibuf [dreg:s8], $0x6FFFF;
	_ =	strace $0x90000046  }
0xb4: {  	s29 =	simm.s32 $0x9;
	_ =	strace $0x80000048  }
0xb5: {  	_ =	swait.ge [sflag:s29], $0x1  }
0xb6: {  	[sflag:s29] =	ssyncadd.s32 $0xFFFFFFFF  }
0xb7: {  	_ =	strace $0x90000048  }
0xb8: {  	_ =	sfence  }
0xb9: {  	s30 =	sld [smem:$0x0];
	_ =	sdelay $0x2  }
0xba: {  	s31 =	sshll.u32 s1, $0xD;
	s1 =	sshrl.u32 s1, $0x2  }
0xbb: {  	s3 =	sand.u32 $0x4000, s31;
	s1 =	sadd.s32 s1, s30  }
0xbc: {  	s0 =	sor.u32 s3, s0;
	s1 =	sshll.u32 s1, $0x11  }
0xbd: {  	s0 =	sor.u32 s1, s0  }
0xbe: {  	s0 =	sadd.s32 $0x8F2B, s0  }
0xbf: {  	[sflag:s0] =	ssyncadd.remote.s32 $0x1  }
0xc0: {  	_ =	sfence.sel $0xFFFF  }
0xc1: {  	[dreg:$0x0] =	wrdreg $0xFFFFFFFF;
	(pc) =	sbr.abs _section_cstart, $3  }
0xc2: {  	[dreg:$0x1] =	wrdreg $0xFFFFFFFF  }
0xc3: {  	_ =	task.clear_ibuf [dreg:s8], $0x2FFFF;
	_ =	strace $0x9FFFFFFF  }
0xc4: {  	(tm) =	ssettm $0x7FFFFFFF  }
0xc5: {  	_ =	shalt  }
tec
execute0_lowered:
.L_overlay_start_1:
0x0: {  	(tag) =	ssettag $0x1  }
0x1: {  	s0 =	rddreg [dreg:$0x0]  }
0x2: {  	s1 =	rddreg [dreg:$0x1];
	s2 =	simm.s32 $0x0;
	s3 =	srdreg.scid  }
0x3: {  	s19 =	stileid.u32;
	s22 =	simm.f32 $1.000000000e+00;
	s21 =	simm.s32 $0x16F80  }
0x4: {  	s31 =	simm.s32 $0x2;
	s20 =	simm.s32 $0x3;
	s23 =	simm.s32 $0x5  }
0x5: {  	s24 =	simm.s32 $0x0;
	[smem:$0x7FF] =	sst s2;
	s15 =	sand.u32 $0x1, s3  }
0x6: {  	s25 =	sshll.u32 s19, $0x1;
	s12 =	sadd.s32 $0xA00, s0;
	s16 =	sadd.s32 $0x3DC00, s0  }
0x7: {  	p0 =	slt.u32 s19, $0x2;
	s17 =	sshll.u32 s19, $0x4;
	_ =	strace $0x80000047  }
0x8: {  	s3 =	sor.u32 s15, s25;
	s4 =	sshll.u32 s15, $0x4;
	s26 =	ssub.s32 $0x2, s15  }
0x9: {  	s22 =	simm.s32 @!p0 $0x0;
	s29 =	sshll.u32 s15, $0x8;
	s30 =	sadd.s32 s16, s17  }
0xa: {  	p0 =	sne.s32 s19, $0x0;
	s25 =	simm.s32 $0x4;
	s19 =	simm.s32 $0x14660  }
0xb: {  	s5 =	smul.u32 $0x7A10, s3;
	s0 =	sadd.s32 s4, s0;
	s6 =	sshrl.u32 s26, $0x1  }
0xc: {  	s28 =	sshll.u32 s3, $0x1;
	s15 =	sadd.s32 s29, s30;
	s16 =	sadd.s32 s16, s29  }
0xd: {  	v0 =	vmov s22;
	s22 =	simm.s32 $0x17000;
	s18 =	ssub.s32 s26, s6;
	s17 =	sadd.s32 $0x3DE00, s0  }
0xe: {  	s26 =	simm.s32 $0x1;
	s13 =	sshrl.u32 s5, $0x3;
	s5 =	sand.u32 $0x6, s28  }
0xf: {  	s18 =	smax.u32 s18, $0x1;
	s3 =	sadd.s32 s12, s13;
	s8 =	sor.u32 $0x1E840, s5  }
0x10: {  	s7 =	sadd.s32 s5, s12;
	s5 =	sadd.s32 s1, s13;
	s11 =	sadd.s32 $0x516, s13  }
0x11: {  	s14 =	sadd.s32 $0xA2C, s13;
	s4 =	sadd.s32 $0x1E848, s3;
	s6 =	sadd.s32 s12, s8  }
0x12: {  	s7 =	sadd.s32 $0x3D088, s7;
	s8 =	sadd.s32 s1, s8;
	s9 =	sadd.s32 s12, s11  }
0x13: {  	s10 =	sadd.s32 $0x1ED5E, s3;
	s11 =	sadd.s32 s1, s11;
	s12 =	sadd.s32 s12, s14  }
0x14: {  	v1 =	vimm.s32 $0x1;
	s13 =	sadd.s32 $0x1F274, s3;
	s14 =	sadd.s32 s1, s14;
	s1 =	simm.s32 $0xCBE0  }
.LBB2_1:
0x15: {  	[tilespmem:s2], [sflag:$0x1] =	stream.linear.gather [hbm4b:s3+s2], $0x28B0, $0x38;
	[tilespmem:$0x17880] =	vst v63  }
0x16: {  	s0 =	simm.s32 $0x7A80  }
0x17: {  	[tilespmem:s0], [sflag:$0x1] =	stream.linear.gather [hbm4b:s4+s2], $0x28B0, $0x38;
	[tilespmem:$0x17880] =	vst v63  }
0x18: {  	s30 =	simm.s32 $0xF500  }
0x19: {  	[tilespmem:s30], [sflag:$0x1] =	stream.linear.gather [hbm4b:s5+s2], $0x28B0, $0x38;
	[tilespmem:$0x17880] =	vst v63  }
0x1a: {  	s30 =	rddreg [dreg:$0x2]  }
0x1b: {  	[tilespmem:s21], [sflag:$0x4] =	stream.linear.gather [hbm4b:s30+s2], $0x80, $0x38;
	[tilespmem:$0x17880] =	vst v63  }
0x1c: {  	s30 =	simm.s32 $0x7A10  }
0x1d: {  	[tilespmem:s30], [sflag:$0x4] =	stream.linear.gather [hbm4b:s6+s2], $0x10, $0x38;
	[tilespmem:$0x17880] =	vst v63  }
0x1e: {  	s30 =	simm.s32 $0xF490  }
0x1f: {  	[tilespmem:s30], [sflag:$0x4] =	stream.linear.gather [hbm4b:s7+s2], $0x10, $0x38;
	[tilespmem:$0x17880] =	vst v63  }
0x20: {  	s30 =	simm.s32 $0x16F10  }
0x21: {  	[tilespmem:s30], [sflag:$0x4] =	stream.linear.gather [hbm4b:s8+s2], $0x10, $0x38;
	[tilespmem:$0x17880] =	vst v63  }
0x22: {  	_ =	swait.ge [sflag:s25], $0x80  }
0x23: {  	[sflag:s25] =	ssyncset.done $0x0  }
0x24: {  	[sflag:s25] =	ssyncadd.s32 $0xFFFFFF80  }
0x25: {  	v2 =	vld.msk [tilespmem:s21+$0x0], $0xffff  }
0x26: {  	v3 =	vld.idx.msk [tilespmem:v1+s21+$0x0], $0xffff;
	_ =	swait.ge [sflag:s26], $0x28B0  }
0x27: {  	[sflag:s26] =	ssyncset.done $0x0  }
0x28: {  	[sflag:s26] =	ssyncadd.s32 $0xFFFFD750  }
0x29: {  	_ =	swait.ge [sflag:s26], $0x28B0  }
0x2a: {  	[sflag:s26] =	ssyncset.done $0x0  }
0x2b: {  	[sflag:s26] =	ssyncadd.s32 $0xFFFFD750  }
0x2c: {  	_ =	swait.ge [sflag:s26], $0x28B0  }
0x2d: {  	[sflag:s26] =	ssyncset.done $0x0  }
0x2e: {  	s30 =	simm.s32 $0x28B0;
	[sflag:s26] =	ssyncadd.s32 $0xFFFFD750  }
0x2f: {  	[tilespmem:s30], [sflag:$0x2] =	stream.linear.gather [hbm4b:s9+s2], $0x28B0, $0x38;
	[tilespmem:$0x17880] =	vst v63  }
0x30: {  	s30 =	simm.s32 $0xA330  }
0x31: {  	[tilespmem:s30], [sflag:$0x2] =	stream.linear.gather [hbm4b:s10+s2], $0x28B0, $0x38;
	[tilespmem:$0x17880] =	vst v63  }
0x32: {  	s28 =	simm.s32 $0x0;
	s30 =	simm.s32 $0x11DB0  }
0x33: {  	[tilespmem:s30], [sflag:$0x2] =	stream.linear.gather [hbm4b:s11+s2], $0x28B0, $0x38;
	[tilespmem:$0x17880] =	vst v63  }
0x34: {  	v4 =	vld [tilespmem:s28+$0x20]  }
0x35: {  	v5 =	vld [tilespmem:s28+$0xF520]  }
0x36: {  	v6 =	vld [tilespmem:s28+$0x7AA0];
	_ =	sdelay $0x2  }
0x37: {  	v7 =	vld [tilespmem:s28+$0xF500]  }
0x38: {  	v8 =	vld [tilespmem:s28+$0xF510];
	vm1 =	veq.s32 v5, $0x0  }
0x39: {  	v9 =	vld [tilespmem:s28+$0x0];
	v6 =	vsel vm1, v4, v6  }
0x3a: {  	v10 =	vld [tilespmem:s28+$0x7A80];
	v11 =	vsub.f32 $0.0e+00, v6  }
0x3b: {  	v5 =	vld [tilespmem:s28+$0x10]  }
0x3c: {  	v4 =	vld [tilespmem:s28+$0x7A90];
	v11 =	vmin.f32 v6, v11  }
0x3d: {  	vm0 =	veq.s32 v7, $0x0;
	v7 =	vmul.f32 $1.442695020e+00, v11;
	_ =	sdelay $0x1  }
0x3e: {  	(erf) = vpow2.f32 v7  }
0x3f: {  	vm2 =	veq.s32 v8, $0x0;
	v8 =	vsel vm0, v9, v10  }
0x40: {  	v9 =	vsub.f32 $0.0e+00, v8;
	v5 =	vsel vm2, v5, v4  }
0x41: {  	v4 =	vsub.f32 $0.0e+00, v5  }
0x42: {  	v7 =	vmin.f32 v8, v9  }
0x43: {  	v7 =	vmul.f32 $1.442695020e+00, v7;
	v4 =	vmin.f32 v5, v4  }
0x44: {  	v4 =	vmul.f32 $1.442695020e+00, v4  }
0x45: {  	(erf) = vpow2.f32 v7  }
0x46: {  	(erf) = vpow2.f32 v4  }
0x47: {  	v10 =	vpop (erf)  }
0x48: {  	v7 =	vadd.f32 $1.000000000e+00, v10;
	_ =	sdelay $0x1  }
0x49: {  	v11 =	vadd.f32 $1.000000000e+00, v7;
	_ =	sdelay $0x1  }
0x4a: {  	v4 =	vmul.f32 v11, v7;
	_ =	sdelay $0x1  }
0x4b: {  	s28 =	simm.s32 $0x30;
	v12 =	vpop (erf);
	(erf) = vrcp.f32 v4  }
0x4c: {  	v18 =	vld [tilespmem:s28+$0x20];
	v13 =	vadd.f32 $1.000000000e+00, v12;
	v14 =	vpop (erf)  }
0x4d: {  	v19 =	vld [tilespmem:s28+$0xF520];
	v15 =	vadd.f32 $1.000000000e+00, v14  }
0x4e: {  	v20 =	vld [tilespmem:s28+$0x7AA0];
	v16 =	vadd.f32 $1.000000000e+00, v13  }
0x4f: {  	v21 =	vld [tilespmem:s28+$0xF500];
	v17 =	vadd.f32 $1.000000000e+00, v15  }
0x50: {  	v22 =	vld [tilespmem:s28+$0xF510];
	v4 =	vmul.f32 v16, v13  }
0x51: {  	v25 =	vld [tilespmem:s28+$0x0];
	v9 =	vmul.f32 v17, v15  }
0x52: {  	v23 =	vsel vm0, v2, v3;
	v24 =	vsel vm2, v2, v3;
	v27 =	vld [tilespmem:s28+$0x7A80];
	(erf) = vrcp.f32 v4  }
0x53: {  	vm3 =	vge.f32 v8, $0.0e+00;
	vm2 =	vmmov vm1;
	(erf) = vrcp.f32 v9  }
0x54: {  	vm4 =	vge.f32 v5, $0.0e+00;
	vm0 =	veq.s32 v19, $0x0;
	v19 =	vsel vm3, $0x0, v8;
	v26 =	vpop (erf)  }
0x55: {  	v8 =	vld [tilespmem:s28+$0x7A90];
	vm3 =	vmmov vm3;
	vm8 =	veq.s32 v21, $0x0;
	v7 =	vmul.f32 v26, v7  }
0x56: {  	vm5 =	veq.s32 v22, $0x0;
	v28 =	vsel vm4, $0x0, v5;
	v5 =	vld [tilespmem:s28+$0x10];
	v9 =	vsel vm0, v18, v20  }
0x57: {  	v22 =	vsel vm8, v25, v27;
	v18 =	vsub.f32 $0.0e+00, v9;
	v20 =	vmul.f32 v7, v10  }
0x58: {  	v34 =	vsel vm2, v2, v3;
	vm1 =	vmmov vm4;
	vm9 =	vge.f32 v22, $0.0e+00  }
0x59: {  	v11 =	vmul.f32 v26, v11;
	v7 =	vmin.f32 v9, v18;
	v18 =	vmul.f32 v20, v20  }
0x5a: {  	v27 =	vsub.f32 $0.0e+00, v22;
	vm2 =	vmmov vm9;
	v7 =	vmul.f32 $1.442695020e+00, v7  }
0x5b: {  	v5 =	vsel vm5, v5, v8;
	v21 =	vpop (erf);
	v10 =	vmul.f32 v11, v10;
	v29 =	vmul.f32 $1.111111120e-01, v18  }
0x5c: {  	v8 =	vsel vm8, v2, v3;
	v13 =	vmul.f32 v21, v13;
	v25 =	vpop (erf);
	(erf) = vpow2.f32 v7  }
0x5d: {  	v16 =	vmul.f32 v21, v16;
	v15 =	vmul.f32 v25, v15;
	v29 =	vadd.f32 $1.428571490e-01, v29  }
0x5e: {  	v13 =	vmul.f32 v13, v12;
	v7 =	vmin.f32 v22, v27;
	v27 =	vsub.f32 $0.0e+00, v5  }
0x5f: {  	vm10 =	vge.f32 v5, $0.0e+00;
	v17 =	vmul.f32 v25, v17;
	v29 =	vmul.f32 v29, v18  }
0x60: {  	v30 =	vmul.f32 $1.442695020e+00, v7;
	v15 =	vmul.f32 v15, v14;
	v27 =	vmin.f32 v5, v27  }
0x61: {  	v31 =	vmul.f32 v13, v13;
	v27 =	vmul.f32 $1.442695020e+00, v27;
	v29 =	vadd.f32 $2.000000030e-01, v29  }
0x62: {  	(erf) = vpow2.f32 v30;
	v32 =	vadd.f32 v15, v15;
	v15 =	vmul.f32 v15, v15  }
0x63: {  	v4 =	vimm.f32 $0.0e+00;
	(erf) = vpow2.f32 v27;
	v27 =	vmul.f32 v29, v18  }
0x64: {  	v12 =	vmul.f32 v16, v12;
	v7 =	vsel vm5, v2, v3;
	v30 =	vmul.f32 $1.111111120e-01, v31  }
0x65: {  	v14 =	vmul.f32 v17, v14;
	v29 =	vmul.f32 $1.111111120e-01, v15;
	v25 =	vpop (erf);
	v27 =	vadd.f32 $3.333333430e-01, v27  }
0x66: {  	v12 =	vsel vm3, v12, v16;
	v21 =	vadd.f32 $1.428571490e-01, v30;
	v30 =	vadd.f32 $1.000000000e+00, v25  }
0x67: {  	vm3 =	vge.f32 v6, $0.0e+00;
	v29 =	vadd.f32 $1.428571490e-01, v29;
	v18 =	vmul.f32 v27, v18  }
0x68: {  	v10 =	vsel vm3, v10, v11;
	v35 =	vmul.f32 v12, v12;
	v27 =	vadd.f32 $1.000000000e+00, v30  }
0x69: {  	v21 =	vmul.f32 v21, v31;
	v16 =	vadd.f32 $1.000000000e+00, v18;
	v18 =	vadd.f32 v20, v20  }
0x6a: {  	v6 =	vsel vm3, $0x0, v6;
	v26 =	vmul.f32 v29, v15;
	v33 =	vmul.f32 v27, v30  }
0x6b: {  	v10 =	vmul.f32 v10, v10;
	v21 =	vadd.f32 $2.000000030e-01, v21;
	v29 =	vpop (erf);
	v16 =	vmul.f32 v16, v18  }
0x6c: {  	v26 =	vadd.f32 $2.000000030e-01, v26;
	v20 =	vadd.f32 $1.000000000e+00, v29;
	v11 =	vpop (erf);
	(erf) = vrcp.f32 v33  }
0x6d: {  	v10 =	vmul.f32 v10, v34;
	v18 =	vadd.f32 $1.000000000e+00, v11;
	v6 =	vsub.f32 v16, v6  }
0x6e: {  	v14 =	vsel vm1, v14, v17;
	v41 =	vadd.f32 $1.000000000e+00, v20;
	v16 =	vmul.f32 v21, v31  }
0x6f: {  	s28 =	simm.s32 $0x60;
	v42 =	vadd.f32 $1.000000000e+00, v18;
	v21 =	vmul.f32 v26, v15;
	v6 =	vmul.f32 v6, v10  }
0x70: {  	v14 =	vmul.f32 v14, v14;
	v26 =	vld [tilespmem:s28+$0x20];
	v10 =	vmul.f32 v41, v20;
	v16 =	vadd.f32 $3.333333430e-01, v16  }
0x71: {  	v17 =	vmul.f32 v42, v18;
	v21 =	vadd.f32 $3.333333430e-01, v21;
	v36 =	vadd.f32 v6, v4;
	v6 =	vld [tilespmem:s28+$0xF520]  }
0x72: {  	v13 =	vadd.f32 v13, v13;
	(erf) = vrcp.f32 v10;
	v10 =	vmul.f32 v16, v31;
	v16 =	vld [tilespmem:s28+$0x7AA0]  }
0x73: {  	(erf) = vrcp.f32 v17;
	v17 =	vsel vm10, $0x0, v5;
	v5 =	vmul.f32 v21, v15;
	v15 =	vld [tilespmem:s28+$0xF500]  }
0x74: {  	v12 =	vsel vm9, $0x0, v22;
	vm3 =	vmmov vm0;
	v21 =	vld [tilespmem:s28+$0xF510];
	v10 =	vadd.f32 $1.000000000e+00, v10  }
0x75: {  	v23 =	vmul.f32 v35, v23;
	v14 =	vmul.f32 v14, v24;
	v5 =	vadd.f32 $1.000000000e+00, v5;
	v31 =	vpop (erf)  }
0x76: {  	vm1 =	vmmov vm10;
	v10 =	vmul.f32 v10, v13;
	v27 =	vmul.f32 v31, v27  }
0x77: {  	v22 =	vld [tilespmem:s28+$0x0];
	vm0 =	veq.s32 v6, $0x0;
	v6 =	vmul.f32 v31, v30;
	v24 =	vmul.f32 v5, v32  }
0x78: {  	v13 =	vld [tilespmem:s28+$0x7A80];
	v31 =	vsel vm3, v2, v3;
	vm3 =	vge.f32 v9, $0.0e+00;
	v16 =	vsel vm0, v26, v16  }
0x79: {  	v30 =	vld [tilespmem:s28+$0x10];
	vm11 =	veq.s32 v15, $0x0;
	v10 =	vsub.f32 v10, v19;
	vm12 =	veq.s32 v21, $0x0  }
0x7a: {  	v15 =	vld [tilespmem:s28+$0x7A90];
	v9 =	vsel vm3, $0x0, v9;
	v26 =	vsub.f32 $0.0e+00, v16;
	v43 =	vmul.f32 v6, v25  }
0x7b: {  	v5 =	vsel vm11, v2, v3;
	v19 =	vsub.f32 v24, v28;
	v25 =	vmul.f32 v27, v25  }
0x7c: {  	vm15 =	vge.f32 v16, $0.0e+00;
	v6 =	vmin.f32 v16, v26;
	v21 =	vmul.f32 v43, v43  }
0x7d: {  	v23 =	vmul.f32 v10, v23;
	v13 =	vsel vm11, v22, v13;
	v6 =	vmul.f32 $1.442695020e+00, v6  }
0x7e: {  	v32 =	vadd.f32 v43, v43;
	v25 =	vsel vm3, v25, v27;
	v28 =	vmul.f32 $1.111111120e-01, v21  }
0x7f: {  	v24 =	vpop (erf);
	v26 =	vsub.f32 $0.0e+00, v13;
	v15 =	vsel vm12, v30, v15;
	(erf) = vpow2.f32 v6  }
0x80: {  	v20 =	vmul.f32 v24, v20;
	v30 =	vsub.f32 $0.0e+00, v15;
	v28 =	vadd.f32 $1.428571490e-01, v28  }
0x81: {  	v24 =	vmul.f32 v24, v41;
	v25 =	vmul.f32 v25, v25;
	v26 =	vmin.f32 v13, v26  }
0x82: {  	v22 =	vpop (erf);
	v26 =	vmul.f32 $1.442695020e+00, v26;
	v30 =	vmin.f32 v15, v30;
	v28 =	vmul.f32 v28, v21  }
0x83: {  	vm3 =	vmmov vm0;
	v18 =	vmul.f32 v22, v18;
	v30 =	vmul.f32 $1.442695020e+00, v30  }
0x84: {  	v20 =	vmul.f32 v20, v29;
	(erf) = vpow2.f32 v26;
	v28 =	vadd.f32 $2.000000030e-01, v28  }
0x85: {  	v16 =	vsel vm15, $0x0, v16;
	v18 =	vmul.f32 v18, v11;
	(erf) = vpow2.f32 v30  }
0x86: {  	vm13 =	vge.f32 v13, $0.0e+00;
	v44 =	vmul.f32 v20, v20;
	v28 =	vmul.f32 v28, v21  }
0x87: {  	v61 =	vsel vm3, v2, v3;
	v45 =	vmul.f32 v22, v42;
	v37 =	vmul.f32 v18, v18  }
0x88: {  	vm5 =	vmmov vm13;
	v26 =	vmul.f32 $1.111111120e-01, v44;
	v22 =	vpop (erf);
	v28 =	vadd.f32 $3.333333430e-01, v28  }
0x89: {  	v6 =	vsel vm12, v2, v3;
	v30 =	vmul.f32 $1.111111120e-01, v37;
	v46 =	vadd.f32 $1.000000000e+00, v22  }
0x8a: {  	vm14 =	vge.f32 v15, $0.0e+00;
	v26 =	vadd.f32 $1.428571490e-01, v26;
	v21 =	vmul.f32 v28, v21  }
0x8b: {  	v29 =	vmul.f32 v24, v29;
	v30 =	vadd.f32 $1.428571490e-01, v30;
	v28 =	vadd.f32 $1.000000000e+00, v46  }
0x8c: {  	v11 =	vmul.f32 v45, v11;
	v26 =	vmul.f32 v26, v44;
	v21 =	vadd.f32 $1.000000000e+00, v21  }
0x8d: {  	v20 =	vadd.f32 v20, v20;
	v30 =	vmul.f32 v30, v37;
	v38 =	vpop (erf);
	v39 =	vmul.f32 v28, v46  }
0x8e: {  	v26 =	vadd.f32 $2.000000030e-01, v26;
	v27 =	vadd.f32 $1.000000000e+00, v38;
	v40 =	vpop (erf);
	v21 =	vmul.f32 v21, v32  }
0x8f: {  	v30 =	vadd.f32 $2.000000030e-01, v30;
	v47 =	vadd.f32 $1.000000000e+00, v40;
	(erf) = vrcp.f32 v39  }
0x90: {  	v9 =	vsub.f32 v21, v9;
	v21 =	vmul.f32 v25, v31;
	v31 =	vadd.f32 $1.000000000e+00, v27  }
0x91: {  	v24 =	vsel vm2, v29, v24;
	v25 =	vmul.f32 v26, v44;
	v26 =	vmul.f32 v30, v37  }
0x92: {  	v24 =	vmul.f32 v24, v24;
	v48 =	vadd.f32 $1.000000000e+00, v47;
	v29 =	vmul.f32 v31, v27  }
0x93: {  	s28 =	simm.s32 $0x90;
	v9 =	vmul.f32 v9, v21;
	v25 =	vadd.f32 $3.333333430e-01, v25;
	v26 =	vadd.f32 $3.333333430e-01, v26  }
0x94: {  	v49 =	vld [tilespmem:s28+$0x20];
	v21 =	vsel vm1, v11, v45;
	v30 =	vmul.f32 v48, v47;
	(erf) = vrcp.f32 v29  }
0x95: {  	v11 =	vsel vm13, $0x0, v13;
	v29 =	vld [tilespmem:s28+$0xF520];
	v13 =	vmul.f32 v25, v44;
	v26 =	vmul.f32 v26, v37  }
0x96: {  	v36 =	vadd.f32 v9, v36;
	v9 =	vsel vm14, $0x0, v15;
	v25 =	vld [tilespmem:s28+$0x7AA0];
	v15 =	vmul.f32 v24, v8  }
0x97: {  	v8 =	vmul.f32 v21, v21;
	(erf) = vrcp.f32 v30;
	v30 =	vld [tilespmem:s28+$0xF500];
	v35 =	vadd.f32 $1.000000000e+00, v13  }
0x98: {  	v18 =	vadd.f32 v18, v18;
	v21 =	vld [tilespmem:s28+$0xF510];
	v24 =	vadd.f32 $1.000000000e+00, v26;
	v13 =	vmul.f32 v19, v14  }
0x99: {  	v50 =	vld [tilespmem:s28+$0x7A80];
	vm4 =	vmmov vm14;
	v14 =	vmul.f32 v8, v7;
	v26 =	vpop (erf);
	v20 =	vmul.f32 v35, v20  }
0x9a: {  	v19 =	vld [tilespmem:s28+$0x0];
	v24 =	vmul.f32 v24, v18;
	vm0 =	veq.s32 v29, $0x0;
	v7 =	vmul.f32 v26, v46  }
0x9b: {  	v29 =	vld [tilespmem:s28+$0x10];
	v10 =	vsel vm0, v49, v25;
	v18 =	vsub.f32 v20, v12;
	v12 =	vadd.f32 v23, v4  }
0x9c: {  	vm1 =	veq.s32 v30, $0x0;
	v23 =	vld [tilespmem:s28+$0x7A90];
	v25 =	vsub.f32 $0.0e+00, v10;
	v30 =	vmul.f32 v7, v22  }
0x9d: {  	vm2 =	veq.s32 v21, $0x0;
	v26 =	vmul.f32 v26, v28;
	v20 =	vsub.f32 v24, v17  }
0x9e: {  	v8 =	vsel vm1, v2, v3;
	v17 =	vmin.f32 v10, v25;
	v21 =	vmul.f32 v30, v30;
	v51 =	vpop (erf)  }
0x9f: {  	v41 =	vsel vm1, v19, v50;
	v17 =	vmul.f32 $1.442695020e+00, v17;
	v24 =	vmul.f32 v51, v27  }
0xa0: {  	v7 =	vsel vm2, v2, v3;
	v25 =	vsub.f32 $0.0e+00, v41;
	v52 =	vmul.f32 $1.111111120e-01, v21  }
0xa1: {  	v19 =	vsel vm2, v29, v23;
	(erf) = vpow2.f32 v17;
	v17 =	vmul.f32 v24, v38  }
0xa2: {  	v27 =	vpop (erf);
	v23 =	vmin.f32 v41, v25;
	v25 =	vsub.f32 $0.0e+00, v19;
	v29 =	vadd.f32 $1.428571490e-01, v52  }
0xa3: {  	v32 =	vmul.f32 v27, v47;
	v23 =	vmul.f32 $1.442695020e+00, v23;
	v24 =	vadd.f32 v17, v17  }
0xa4: {  	v25 =	vmin.f32 v19, v25;
	v42 =	vmul.f32 v17, v17;
	v17 =	vmul.f32 v29, v21  }
0xa5: {  	v22 =	vmul.f32 v26, v22;
	v58 =	vadd.f32 v30, v30;
	v29 =	vmul.f32 $1.442695020e+00, v25  }
0xa6: {  	v32 =	vmul.f32 v32, v40;
	(erf) = vpow2.f32 v23;
	v17 =	vadd.f32 $2.000000030e-01, v17  }
0xa7: {  	v26 =	vsel vm15, v22, v26;
	v23 =	vmul.f32 $1.111111120e-01, v42;
	(erf) = vpow2.f32 v29  }
0xa8: {  	v26 =	vmul.f32 v26, v26;
	vm2 =	vge.f32 v41, $0.0e+00;
	v53 =	vmul.f32 v17, v21  }
0xa9: {  	v25 =	vadd.f32 v32, v32;
	v32 =	vmul.f32 v32, v32;
	v23 =	vadd.f32 $1.428571490e-01, v23  }
0xaa: {  	v27 =	vmul.f32 v27, v48;
	v29 =	vmul.f32 v51, v31;
	v55 =	vadd.f32 $3.333333430e-01, v53  }
0xab: {  	vm1 =	vge.f32 v19, $0.0e+00;
	v31 =	vmul.f32 $1.111111120e-01, v32;
	v23 =	vmul.f32 v23, v42;
	v17 =	vpop (erf)  }
0xac: {  	v54 =	vmul.f32 v29, v38;
	v33 =	vadd.f32 $1.000000000e+00, v17;
	v35 =	vmul.f32 v55, v21  }
0xad: {  	v34 =	vmul.f32 v26, v61;
	v56 =	vmul.f32 v27, v40;
	v31 =	vadd.f32 $1.428571490e-01, v31  }
0xae: {  	v57 =	vsel vm5, v54, v29;
	v21 =	vadd.f32 $1.000000000e+00, v33;
	v29 =	vadd.f32 $1.000000000e+00, v35  }
0xaf: {  	v38 =	vsel vm4, v56, v27;
	v31 =	vmul.f32 v31, v32;
	v28 =	vadd.f32 $2.000000030e-01, v23;
	v23 =	vpop (erf)  }
0xb0: {  	v30 =	vadd.f32 $1.000000000e+00, v23;
	v59 =	vmul.f32 v21, v33;
	v22 =	vpop (erf);
	v29 =	vmul.f32 v29, v58  }
0xb1: {  	v60 =	vadd.f32 $2.000000030e-01, v31;
	v28 =	vmul.f32 v28, v42;
	v31 =	vadd.f32 $1.000000000e+00, v22  }
0xb2: {  	(erf) = vrcp.f32 v59;
	v16 =	vsub.f32 v29, v16;
	v29 =	vadd.f32 $1.000000000e+00, v30  }
0xb3: {  	v27 =	vsel vm2, $0x0, v41;
	v62 =	vmul.f32 v60, v32;
	v26 =	vadd.f32 $1.000000000e+00, v31  }
0xb4: {  	s29 =	simm.s32 $0xC0;
	v43 =	vadd.f32 $3.333333430e-01, v28;
	v16 =	vmul.f32 v16, v34;
	v63 =	vmul.f32 v29, v30  }
0xb5: {  	v39 =	vmul.f32 v57, v57;
	v35 =	vld [tilespmem:s29+$0xF520];
	v37 =	vadd.f32 $3.333333430e-01, v62;
	v34 =	vmul.f32 v26, v31  }
0xb6: {  	s28 =	simm.s32 $0x3C0;
	v28 =	vld [tilespmem:s29+$0x20];
	v40 =	vmul.f32 v43, v42;
	v16 =	vadd.f32 v16, v36;
	(erf) = vrcp.f32 v63  }
.LBB2_2:
0xb7: {  	v19 =	vsel vm1, $0x0, v19;
	(erf) = vrcp.f32 v34;
	v32 =	vmul.f32 v37, v32  }
0xb8: {  	p1 =	sne.s32 s28, $0xA200;
	v36 =	vld [tilespmem:s29+$0x7AA0];
	vm4 =	vmmov vm0;
	vm5 =	vmmov vm2;
	vm3 =	vmmov vm1  }
0xb9: {  	v39 =	vmul.f32 v39, v5;
	v38 =	vmul.f32 v38, v38;
	v5 =	vmovc v8;
	v34 =	vld [tilespmem:s29+$0xF500];
	v37 =	vadd.f32 $1.000000000e+00, v40  }
0xba: {  	v40 =	vld [tilespmem:s29+$0xF510];
	v8 =	vadd.f32 $1.000000000e+00, v32;
	v32 =	vmul.f32 v18, v15;
	v18 =	vmul.f32 v20, v14  }
0xbb: {  	v4 =	vadd.f32 v13, v4;
	v14 =	vmul.f32 v38, v6;
	v41 =	vld [tilespmem:s29+$0x0];
	v42 =	vpop (erf);
	v20 =	vmul.f32 v37, v24  }
0xbc: {  	v15 =	vmovc v39;
	v24 =	vld [tilespmem:s29+$0x7A80];
	vm0 =	veq.s32 v35, $0x0;
	v33 =	vmul.f32 v42, v33;
	v25 =	vmul.f32 v8, v25;
	v13 =	vmovc v18  }
0xbd: {  	v6 =	vmovc v7;
	v12 =	vadd.f32 v32, v12;
	v35 =	vld [tilespmem:s29+$0x10];
	v28 =	vsel vm0, v28, v36;
	v18 =	vsub.f32 v20, v11  }
0xbe: {  	v11 =	vmovc v27;
	vm1 =	veq.s32 v34, $0x0;
	v32 =	vld [tilespmem:s29+$0x7A90];
	v34 =	vsub.f32 $0.0e+00, v28;
	v36 =	vmul.f32 v33, v17  }
0xbf: {  	v20 =	vsub.f32 v25, v9;
	v9 =	vmovc v19;
	v8 =	vsel vm1, v2, v3;
	vm2 =	veq.s32 v40, $0x0  }
0xc0: {  	v7 =	vsel vm2, v2, v3;
	v19 =	vmin.f32 v28, v34;
	v27 =	vmul.f32 v36, v36;
	v33 =	vpop (erf)  }
0xc1: {  	v40 =	vsel vm1, v41, v24;
	v24 =	vmul.f32 $1.442695020e+00, v19;
	v25 =	vmul.f32 v33, v30;
	v30 =	vpop (erf)  }
0xc2: {  	v34 =	vsub.f32 $0.0e+00, v40;
	v31 =	vmul.f32 v30, v31;
	v37 =	vmul.f32 $1.111111120e-01, v27  }
0xc3: {  	v19 =	vsel vm2, v35, v32;
	(erf) = vpow2.f32 v24;
	v25 =	vmul.f32 v25, v23  }
0xc4: {  	v24 =	vmin.f32 v40, v34;
	v32 =	vsub.f32 $0.0e+00, v19;
	v34 =	vadd.f32 $1.428571490e-01, v37  }
0xc5: {  	v31 =	vmul.f32 v31, v22;
	v35 =	vmul.f32 $1.442695020e+00, v24;
	v24 =	vadd.f32 v25, v25  }
0xc6: {  	v41 =	vmul.f32 v25, v25;
	v32 =	vmin.f32 v19, v32;
	v34 =	vmul.f32 v34, v27  }
0xc7: {  	v25 =	vadd.f32 v31, v31;
	v37 =	vmul.f32 $1.442695020e+00, v32;
	(erf) = vpow2.f32 v35  }
0xc8: {  	v35 =	vmul.f32 $1.111111120e-01, v41;
	v32 =	vmul.f32 v31, v31;
	v31 =	vadd.f32 $2.000000030e-01, v34  }
0xc9: {  	v29 =	vmul.f32 v33, v29;
	vm2 =	vge.f32 v40, $0.0e+00;
	(erf) = vpow2.f32 v37  }
0xca: {  	v33 =	vadd.f32 $1.428571490e-01, v35;
	v34 =	vmul.f32 $1.111111120e-01, v32;
	v31 =	vmul.f32 v31, v27  }
0xcb: {  	v23 =	vmul.f32 v29, v23;
	vm1 =	vge.f32 v19, $0.0e+00;
	v35 =	vmul.f32 v30, v26  }
0xcc: {  	v30 =	vmul.f32 v33, v41;
	v34 =	vadd.f32 $1.428571490e-01, v34;
	v26 =	vpop (erf);
	v31 =	vadd.f32 $3.333333430e-01, v31  }
0xcd: {  	v37 =	vmul.f32 v35, v22;
	v22 =	vmul.f32 v42, v21;
	v33 =	vadd.f32 $1.000000000e+00, v26  }
0xce: {  	v38 =	vadd.f32 $2.000000030e-01, v30;
	v34 =	vmul.f32 v34, v32;
	v27 =	vmul.f32 v31, v27  }
0xcf: {  	v39 =	vsel vm5, v23, v29;
	v29 =	vmul.f32 v22, v17;
	v17 =	vmovc v26;
	v21 =	vadd.f32 $1.000000000e+00, v33  }
0xd0: {  	vm5 =	vge.f32 v10, $0.0e+00;
	v23 =	vpop (erf);
	v26 =	vadd.f32 $1.000000000e+00, v27;
	v27 =	vadd.f32 v36, v36  }
0xd1: {  	v29 =	vsel vm5, v29, v22;
	v30 =	vadd.f32 $1.000000000e+00, v23;
	v36 =	vmul.f32 v21, v33  }
0xd2: {  	v34 =	vadd.f32 $2.000000030e-01, v34;
	v22 =	vpop (erf);
	v26 =	vmul.f32 v26, v27;
	v27 =	vmul.f32 v29, v29  }
0xd3: {  	v42 =	vsel vm5, $0x0, v10;
	v10 =	vmovc v28;
	v29 =	vsel vm4, v2, v3;
	v31 =	vadd.f32 $1.000000000e+00, v22  }
0xd4: {  	(erf) = vrcp.f32 v36;
	v28 =	vsub.f32 v26, v42;
	v27 =	vmul.f32 v27, v29  }
.Ltmp0:
0xd5: {  	v29 =	vadd.f32 $1.000000000e+00, v30;
	v36 =	vmul.f32 v38, v41;
	v26 =	vadd.f32 $1.000000000e+00, v31;
	(pc) =	sbr.rel @p1 .LBB2_2-.Ltmp0, $4  }
0xd6: {  	v42 =	vmul.f32 v34, v32;
	v38 =	vsel vm3, v37, v35;
	v27 =	vmul.f32 v28, v27  }
0xd7: {  	s29 =	sshra.s32 s28, $0x2;
	v43 =	vmul.f32 v29, v30;
	v36 =	vadd.f32 $3.333333430e-01, v36;
	v34 =	vmul.f32 v26, v31  }
0xd8: {  	v39 =	vmul.f32 v39, v39;
	v37 =	vadd.f32 $3.333333430e-01, v42;
	v28 =	vld [tilespmem:s29+$0x20];
	v16 =	vadd.f32 v27, v16  }
0xd9: {  	s28 =	sadd.s32 $0xC0, s28;
	v27 =	vsel vm2, $0x0, v40;
	v40 =	vmul.f32 v36, v41;
	v35 =	vld [tilespmem:s29+$0xF520];
	(erf) = vrcp.f32 v43  }
0xda: {  	v36 =	vld [tilespmem:s29+$0x7AA0]  }
0xdb: {  	v41 =	vld [tilespmem:s29+$0xF500]  }
0xdc: {  	v42 =	vld [tilespmem:s29+$0xF510]  }
0xdd: {  	v43 =	vld [tilespmem:s29+$0x0]  }
0xde: {  	v44 =	vld [tilespmem:s29+$0x7A80]  }
0xdf: {  	v45 =	vld [tilespmem:s29+$0x10]  }
0xe0: {  	v46 =	vld [tilespmem:s29+$0x7A90];
	_ =	sdelay $0x1  }
0xe1: {  	vm3 =	veq.s32 v35, $0x0  }
0xe2: {  	v28 =	vsel vm3, v28, v36;
	vm5 =	veq.s32 v41, $0x0  }
0xe3: {  	vm4 =	veq.s32 v42, $0x0;
	v53 =	vsub.f32 $0.0e+00, v28;
	v41 =	vsel vm5, v43, v44  }
0xe4: {  	v42 =	vsel vm4, v45, v46;
	v54 =	vsub.f32 $0.0e+00, v41  }
0xe5: {  	v55 =	vsub.f32 $0.0e+00, v42;
	v35 =	vmin.f32 v28, v53  }
0xe6: {  	v35 =	vmul.f32 $1.442695020e+00, v35;
	v36 =	vmin.f32 v41, v54  }
0xe7: {  	(erf) = vrcp.f32 v34;
	v57 =	vmin.f32 v42, v55;
	v56 =	vmul.f32 $1.442695020e+00, v36  }
0xe8: {  	v58 =	vmul.f32 $1.442695020e+00, v57;
	(erf) = vpow2.f32 v35  }
0xe9: {  	(erf) = vpow2.f32 v56  }
0xea: {  	v59 =	vpop (erf);
	(erf) = vpow2.f32 v58  }
0xeb: {  	v33 =	vmul.f32 v59, v33;
	_ =	sdelay $0x1  }
0xec: {  	v61 =	vmul.f32 v33, v17;
	_ =	sdelay $0x1  }
0xed: {  	v60 =	vpop (erf);
	v47 =	vmul.f32 v61, v61  }
0xee: {  	v62 =	vpop (erf)  }
0xef: {  	v49 =	vmul.f32 $1.111111120e-01, v47;
	v33 =	vpop (erf)  }
0xf0: {  	v48 =	vadd.f32 $1.000000000e+00, v33;
	v36 =	vpop (erf)  }
0xf1: {  	v49 =	vadd.f32 $1.428571490e-01, v49;
	v50 =	vadd.f32 $1.000000000e+00, v36;
	v35 =	vpop (erf)  }
0xf2: {  	v52 =	vmul.f32 v37, v32;
	v34 =	vadd.f32 $1.000000000e+00, v48;
	v51 =	vadd.f32 $1.000000000e+00, v35  }
0xf3: {  	v5 =	vmul.f32 v39, v5;
	v15 =	vmul.f32 v18, v15;
	v37 =	vadd.f32 $1.000000000e+00, v50  }
0xf4: {  	v49 =	vmul.f32 v49, v47;
	v63 =	vmul.f32 v34, v48;
	v32 =	vadd.f32 $1.000000000e+00, v51  }
0xf5: {  	v38 =	vmul.f32 v38, v38;
	v53 =	vmul.f32 v37, v50  }
0xf6: {  	v18 =	vadd.f32 $2.000000030e-01, v49;
	(erf) = vrcp.f32 v63;
	v56 =	vmul.f32 v32, v51  }
0xf7: {  	v14 =	vmul.f32 v20, v14;
	v57 =	vadd.f32 $1.000000000e+00, v40;
	(erf) = vrcp.f32 v53  }
0xf8: {  	v20 =	vadd.f32 $1.000000000e+00, v52;
	v18 =	vmul.f32 v18, v47;
	(erf) = vrcp.f32 v56  }
0xf9: {  	v13 =	vadd.f32 v13, v4;
	v38 =	vmul.f32 v38, v6;
	v24 =	vmul.f32 v57, v24  }
0xfa: {  	v4 =	vmul.f32 v20, v25;
	v6 =	vadd.f32 $3.333333430e-01, v18;
	v18 =	vmul.f32 v60, v30  }
0xfb: {  	v20 =	vmul.f32 v62, v31;
	v11 =	vsub.f32 v24, v11;
	v24 =	vmul.f32 v60, v29  }
0xfc: {  	v12 =	vadd.f32 v15, v12;
	v6 =	vmul.f32 v6, v47;
	v15 =	vmul.f32 v18, v23  }
0xfd: {  	v18 =	vmul.f32 v20, v22;
	v20 =	vmul.f32 v24, v23;
	v23 =	vadd.f32 v61, v61  }
0xfe: {  	vm2 =	vmmov vm2;
	v9 =	vsub.f32 v4, v9;
	v4 =	vmul.f32 v59, v21  }
0xff: {  	vm0 =	vmmov vm0;
	v19 =	vsel vm1, $0x0, v19;
	v6 =	vadd.f32 $1.000000000e+00, v6;
	v25 =	vpop (erf)  }
0x100: {  	v13 =	vadd.f32 v14, v13;
	vm10 =	vmmov vm3;
	v17 =	vmul.f32 v4, v17;
	v21 =	vpop (erf)  }
0x101: {  	v43 =	vsel vm10, v2, v3;
	v29 =	vmul.f32 v15, v15;
	v6 =	vmul.f32 v6, v23;
	v23 =	vpop (erf)  }
0x102: {  	vm12 =	vge.f32 v28, $0.0e+00;
	v9 =	vmul.f32 v9, v38;
	v30 =	vmul.f32 v18, v18;
	_ =	swait.ge [sflag:s31], $0x28B0  }
0x103: {  	v20 =	vsel vm2, v20, v24;
	vm2 =	vge.f32 v10, $0.0e+00;
	v24 =	vmul.f32 $1.111111120e-01, v29;
	[sflag:s31] =	ssyncset.done $0x0  }
0x104: {  	v26 =	vmul.f32 v62, v26;
	v10 =	vsel vm2, $0x0, v10;
	v4 =	vsel vm2, v17, v4;
	[sflag:s31] =	ssyncadd.s32 $0xFFFFD750  }
0x105: {  	v31 =	vmul.f32 $1.111111120e-01, v30;
	v6 =	vsub.f32 v6, v10;
	v10 =	vadd.f32 $1.428571490e-01, v24;
	_ =	swait.ge [sflag:s31], $0x28B0  }
0x106: {  	v9 =	vadd.f32 v9, v13;
	v5 =	vmul.f32 v11, v5;
	v4 =	vmul.f32 v4, v4;
	[sflag:s31] =	ssyncset.done $0x0  }
0x107: {  	v17 =	vadd.f32 $1.428571490e-01, v31;
	v24 =	vsel vm0, v2, v3;
	v10 =	vmul.f32 v10, v29;
	[sflag:s31] =	ssyncadd.s32 $0xFFFFD750  }
0x108: {  	v12 =	vadd.f32 v5, v12;
	v22 =	vmul.f32 v26, v22;
	v4 =	vmul.f32 v4, v24;
	_ =	swait.ge [sflag:s31], $0x28B0  }
0x109: {  	v15 =	vadd.f32 v15, v15;
	v17 =	vmul.f32 v17, v30;
	v10 =	vadd.f32 $2.000000030e-01, v10;
	[sflag:s31] =	ssyncset.done $0x0  }
0x10a: {  	s28 =	simm.s32 $0x0;
	s0 =	simm.s32 $0x5160;
	v18 =	vadd.f32 v18, v18;
	vm2 =	vge.f32 v42, $0.0e+00;
	v4 =	vmul.f32 v6, v4;
	[sflag:s31] =	ssyncadd.s32 $0xFFFFD750  }
0x10b: {  	v20 =	vmul.f32 v20, v20;
	v17 =	vadd.f32 $2.000000030e-01, v17;
	v10 =	vmul.f32 v10, v29;
	[tilespmem:s0], [sflag:$0x3] =	stream.linear.gather [hbm4b:s12+s28], $0x28B0, $0x38;
	[tilespmem:$0x17880] =	vst v63  }
0x10c: {  	vm3 =	vmmov vm2;
	vm0 =	vmmov vm1;
	v4 =	vadd.f32 v4, v16  }
0x10d: {  	v17 =	vmul.f32 v17, v30;
	v10 =	vadd.f32 $3.333333430e-01, v10;
	v16 =	vmul.f32 v25, v48;
	[tilespmem:s1], [sflag:$0x3] =	stream.linear.gather [hbm4b:s13+s28], $0x28B0, $0x38;
	[tilespmem:$0x17880] =	vst v63  }
0x10e: {  	v8 =	vmul.f32 v20, v8;
	v22 =	vsel vm0, v22, v26;
	vm0 =	vge.f32 v41, $0.0e+00  }
0x10f: {  	v17 =	vadd.f32 $3.333333430e-01, v17;
	v10 =	vmul.f32 v10, v29;
	v16 =	vmul.f32 v16, v33;
	[tilespmem:s19], [sflag:$0x3] =	stream.linear.gather [hbm4b:s14+s28], $0x28B0, $0x38;
	[tilespmem:$0x17880] =	vst v63  }
0x110: {  	v24 =	vsel vm5, v2, v3;
	v26 =	vsel vm0, $0x0, v41;
	v20 =	vmul.f32 v22, v22;
	s28 =	simm.s32 $0x0  }
0x111: {  	v17 =	vmul.f32 v17, v30;
	v10 =	vadd.f32 $1.000000000e+00, v10;
	v11 =	vmul.f32 v16, v16;
	v22 =	vld [tilespmem:s28+$0x28D0]  }
0x112: {  	vm1 =	vmmov vm0;
	v30 =	vmul.f32 v21, v50;
	v21 =	vmul.f32 v21, v37;
	v31 =	vld [tilespmem:s28+$0x11DD0]  }
0x113: {  	v6 =	vsel vm4, v2, v3;
	v10 =	vmul.f32 v10, v15;
	v15 =	vmul.f32 $1.111111120e-01, v11;
	v58 =	vld [tilespmem:s28+$0xA350]  }
0x114: {  	v7 =	vmul.f32 v20, v7;
	v25 =	vmul.f32 v25, v34;
	v17 =	vadd.f32 $1.000000000e+00, v17;
	v20 =	vld [tilespmem:s28+$0x11DB0]  }
0x115: {  	v14 =	vmul.f32 v30, v36;
	v36 =	vmul.f32 v21, v36;
	v15 =	vadd.f32 $1.428571490e-01, v15;
	v30 =	vld [tilespmem:s28+$0x11DC0]  }
0x116: {  	v29 =	vsel vm2, $0x0, v42;
	v17 =	vmul.f32 v17, v18;
	v18 =	vmul.f32 v23, v51;
	v59 =	vld [tilespmem:s28+$0x28B0]  }
0x117: {  	v10 =	vsub.f32 v10, v27;
	v27 =	vmul.f32 v14, v14;
	v15 =	vmul.f32 v15, v11;
	v60 =	vld [tilespmem:s28+$0xA330]  }
0x118: {  	v23 =	vmul.f32 v23, v32;
	v17 =	vsub.f32 v17, v19;
	v61 =	vld [tilespmem:s28+$0xA340];
	vm0 =	veq.s32 v31, $0x0  }
0x119: {  	v19 =	vmul.f32 $1.111111120e-01, v27;
	v15 =	vadd.f32 $2.000000030e-01, v15;
	v31 =	vld [tilespmem:s28+$0x28C0];
	v5 =	vsel vm0, v22, v58  }
0x11a: {  	v16 =	vadd.f32 v16, v16;
	v18 =	vmul.f32 v18, v35;
	v62 =	vsub.f32 $0.0e+00, v5  }
0x11b: {  	v35 =	vmul.f32 v23, v35;
	v19 =	vadd.f32 $1.428571490e-01, v19;
	v15 =	vmul.f32 v15, v11  }
0x11c: {  	vm2 =	veq.s32 v20, $0x0;
	v22 =	vmul.f32 v18, v18;
	v41 =	vmin.f32 v5, v62  }
0x11d: {  	vm11 =	veq.s32 v30, $0x0;
	v30 =	vsel vm2, v59, v60;
	v20 =	vmul.f32 $1.442695020e+00, v41  }
0x11e: {  	v40 =	vsub.f32 $0.0e+00, v30;
	v63 =	vmul.f32 $1.111111120e-01, v22;
	v31 =	vsel vm11, v31, v61  }
0x11f: {  	v15 =	vadd.f32 $3.333333430e-01, v15;
	v41 =	vsub.f32 $0.0e+00, v31;
	(erf) = vpow2.f32 v20  }
0x120: {  	v19 =	vmul.f32 v19, v27;
	v32 =	vmin.f32 v30, v40;
	v20 =	vadd.f32 $1.428571490e-01, v63  }
0x121: {  	v11 =	vmul.f32 v15, v11;
	v32 =	vmul.f32 $1.442695020e+00, v32;
	v42 =	vmin.f32 v31, v41  }
0x122: {  	v21 =	vsel vm1, v36, v21;
	v20 =	vmul.f32 v20, v22;
	v34 =	vmul.f32 $1.442695020e+00, v42  }
0x123: {  	v19 =	vadd.f32 $2.000000030e-01, v19;
	v15 =	vmul.f32 v25, v33;
	(erf) = vpow2.f32 v32  }
0x124: {  	v11 =	vadd.f32 $1.000000000e+00, v11;
	(erf) = vpow2.f32 v34;
	v20 =	vadd.f32 $2.000000030e-01, v20  }
0x125: {  	v14 =	vadd.f32 v14, v14;
	v23 =	vsel vm3, v35, v23;
	v19 =	vmul.f32 v19, v27  }
0x126: {  	v15 =	vsel vm12, v15, v25;
	v11 =	vmul.f32 v11, v16;
	v20 =	vmul.f32 v20, v22  }
0x127: {  	v19 =	vadd.f32 $3.333333430e-01, v19;
	v15 =	vmul.f32 v15, v15;
	v16 =	vsel vm12, $0x0, v28  }
0x128: {  	v8 =	vmul.f32 v10, v8;
	v11 =	vsub.f32 v11, v16;
	v16 =	vadd.f32 $3.333333430e-01, v20;
	v25 =	vpop (erf)  }
0x129: {  	v7 =	vmul.f32 v17, v7;
	v15 =	vmul.f32 v15, v43;
	v28 =	vadd.f32 $1.000000000e+00, v25  }
0x12a: {  	v19 =	vmul.f32 v19, v27;
	v18 =	vadd.f32 v18, v18;
	v16 =	vmul.f32 v16, v22  }
0x12b: {  	v11 =	vmul.f32 v11, v15;
	v15 =	vmul.f32 v21, v21;
	v20 =	vadd.f32 $1.000000000e+00, v28  }
0x12c: {  	v23 =	vmul.f32 v23, v23;
	v19 =	vadd.f32 $1.000000000e+00, v19;
	v21 =	vpop (erf);
	v16 =	vadd.f32 $1.000000000e+00, v16  }
0x12d: {  	v15 =	vmul.f32 v15, v24;
	v24 =	vadd.f32 $1.000000000e+00, v21;
	v27 =	vpop (erf);
	v22 =	vmul.f32 v20, v28  }
0x12e: {  	v8 =	vadd.f32 v8, v12;
	v44 =	vadd.f32 $1.000000000e+00, v27;
	v16 =	vmul.f32 v16, v18  }
0x12f: {  	s28 =	simm.s32 $0x30;
	v10 =	vmul.f32 v19, v14;
	v14 =	vadd.f32 $1.000000000e+00, v24;
	(erf) = vrcp.f32 v22  }
0x130: {  	v6 =	vmul.f32 v23, v6;
	v12 =	vld [tilespmem:s28+$0x11DD0];
	v17 =	vadd.f32 $1.000000000e+00, v44;
	v13 =	vsub.f32 v16, v29  }
0x131: {  	v19 =	vld [tilespmem:s28+$0x28D0];
	v10 =	vsub.f32 v10, v26;
	v18 =	vmul.f32 v14, v24  }
0x132: {  	v16 =	vmul.f32 v17, v44;
	v6 =	vmul.f32 v13, v6;
	v13 =	vld [tilespmem:s28+$0xA350]  }
0x133: {  	v10 =	vmul.f32 v10, v15;
	v15 =	vld [tilespmem:s28+$0x11DB0];
	(erf) = vrcp.f32 v18  }
0x134: {  	v9 =	vadd.f32 v7, v9;
	vm3 =	vge.f32 v30, $0.0e+00;
	(erf) = vrcp.f32 v16  }
0x135: {  	v23 =	vsel vm3, $0x0, v30;
	v7 =	vadd.f32 v10, v8;
	v10 =	vld [tilespmem:s28+$0xA330]  }
0x136: {  	vm1 =	veq.s32 v12, $0x0;
	v11 =	vadd.f32 v11, v4;
	v4 =	vadd.f32 v6, v9;
	v6 =	vld [tilespmem:s28+$0x11DC0]  }
0x137: {  	vm3 =	vmmov vm3;
	vm13 =	vge.f32 v31, $0.0e+00;
	v9 =	vld [tilespmem:s28+$0x28B0];
	v8 =	vsel vm1, v19, v13  }
0x138: {  	v26 =	vsel vm13, $0x0, v31;
	vm14 =	veq.s32 v15, $0x0;
	v19 =	vsub.f32 $0.0e+00, v8;
	v22 =	vpop (erf)  }
0x139: {  	v18 =	vsel vm11, v2, v3;
	v16 =	vsel vm2, v2, v3;
	v12 =	vmul.f32 v22, v28  }
0x13a: {  	vm2 =	vmmov vm0;
	vm0 =	vmmov vm13;
	v13 =	vld [tilespmem:s28+$0xA340];
	vm12 =	vge.f32 v8, $0.0e+00  }
0x13b: {  	vm15 =	veq.s32 v6, $0x0;
	v28 =	vld [tilespmem:s28+$0x28C0];
	v6 =	vmin.f32 v8, v19;
	v12 =	vmul.f32 v12, v25  }
0x13c: {  	v29 =	vsel vm14, v9, v10;
	v20 =	vmul.f32 v22, v20;
	v6 =	vmul.f32 $1.442695020e+00, v6;
	v19 =	vpop (erf)  }
0x13d: {  	v10 =	vsub.f32 $0.0e+00, v29;
	v9 =	vmul.f32 v19, v24;
	v24 =	vpop (erf);
	v15 =	vmul.f32 v12, v12  }
0x13e: {  	vm8 =	vge.f32 v29, $0.0e+00;
	(erf) = vpow2.f32 v6;
	v30 =	vmul.f32 v24, v44  }
0x13f: {  	v8 =	vsel vm12, $0x0, v8;
	v17 =	vmul.f32 v24, v17;
	v31 =	vmul.f32 $1.111111120e-01, v15  }
0x140: {  	v12 =	vadd.f32 v12, v12;
	v28 =	vsel vm15, v28, v13;
	v6 =	vmul.f32 v9, v21  }
0x141: {  	v9 =	vmin.f32 v29, v10;
	v13 =	vsub.f32 $0.0e+00, v28;
	v31 =	vadd.f32 $1.428571490e-01, v31  }
0x142: {  	v10 =	vsel vm14, v2, v3;
	v45 =	vmul.f32 $1.442695020e+00, v9;
	v46 =	vmul.f32 v6, v6  }
0x143: {  	v30 =	vmul.f32 v30, v27;
	v13 =	vmin.f32 v28, v13;
	v31 =	vmul.f32 v31, v15  }
0x144: {  	v9 =	vsel vm15, v2, v3;
	v13 =	vmul.f32 $1.442695020e+00, v13;
	v47 =	vmul.f32 $1.111111120e-01, v46  }
0x145: {  	v27 =	vmul.f32 v17, v27;
	(erf) = vpow2.f32 v45;
	v31 =	vadd.f32 $2.000000030e-01, v31  }
0x146: {  	(erf) = vpow2.f32 v13;
	v13 =	vmul.f32 v19, v14;
	v14 =	vadd.f32 $1.428571490e-01, v47  }
0x147: {  	vm9 =	vge.f32 v28, $0.0e+00;
	v48 =	vadd.f32 v30, v30;
	v24 =	vpop (erf);
	v19 =	vmul.f32 v31, v15  }
0x148: {  	v30 =	vmul.f32 v30, v30;
	v14 =	vmul.f32 v14, v46;
	v49 =	vadd.f32 $1.000000000e+00, v24  }
0x149: {  	v6 =	vadd.f32 v6, v6;
	v21 =	vmul.f32 v13, v21;
	v19 =	vadd.f32 $3.333333430e-01, v19  }
0x14a: {  	v31 =	vmul.f32 $1.111111120e-01, v30;
	v14 =	vadd.f32 $2.000000030e-01, v14;
	v22 =	vadd.f32 $1.000000000e+00, v49  }
0x14b: {  	v13 =	vsel vm3, v21, v13;
	vm3 =	vge.f32 v5, $0.0e+00;
	v15 =	vmul.f32 v19, v15  }
0x14c: {  	v21 =	vmul.f32 v20, v25;
	v31 =	vadd.f32 $1.428571490e-01, v31;
	v5 =	vsel vm3, $0x0, v5  }
0x14d: {  	v53 =	vmul.f32 v13, v13;
	v13 =	vsel vm8, $0x0, v29;
	v15 =	vadd.f32 $1.000000000e+00, v15  }
0x14e: {  	v50 =	vmul.f32 v22, v49;
	v20 =	vsel vm3, v21, v20;
	v19 =	vmul.f32 v31, v30  }
0x14f: {  	v25 =	vpop (erf);
	v21 =	vsel vm2, v2, v3;
	v12 =	vmul.f32 v15, v12;
	v15 =	vmul.f32 v20, v20  }
0x150: {  	v31 =	vadd.f32 $1.000000000e+00, v25;
	(erf) = vrcp.f32 v50;
	v51 =	vpop (erf);
	v19 =	vadd.f32 $2.000000030e-01, v19  }
0x151: {  	v20 =	vadd.f32 $1.000000000e+00, v51;
	v5 =	vsub.f32 v12, v5;
	v12 =	vmul.f32 v15, v21  }
0x152: {  	s28 =	simm.s32 $0x60;
	v14 =	vmul.f32 v14, v46;
	vm3 =	vmmov vm1;
	v15 =	vadd.f32 $1.000000000e+00, v31  }
0x153: {  	v29 =	vld [tilespmem:s28+$0x11DC0];
	v19 =	vmul.f32 v19, v30;
	v52 =	vadd.f32 $1.000000000e+00, v20;
	v5 =	vmul.f32 v5, v12  }
0x154: {  	v14 =	vadd.f32 $3.333333430e-01, v14;
	v21 =	vsel vm0, v27, v17;
	v27 =	vld [tilespmem:s28+$0x28D0];
	v12 =	vmul.f32 v15, v31  }
0x155: {  	v19 =	vadd.f32 $3.333333430e-01, v19;
	v17 =	vmul.f32 v52, v20;
	v11 =	vadd.f32 v5, v11;
	v5 =	vld [tilespmem:s28+$0x11DD0]  }
0x156: {  	vm2 =	vmmov vm8;
	(erf) = vrcp.f32 v12;
	v12 =	vmul.f32 v14, v46;
	v14 =	vld [tilespmem:s28+$0xA350]  }
0x157: {  	v19 =	vmul.f32 v19, v30;
	(erf) = vrcp.f32 v17;
	v17 =	vsel vm9, $0x0, v28;
	v28 =	vld [tilespmem:s28+$0x11DB0]  }
0x158: {  	vm1 =	vmmov vm9;
	v30 =	vmul.f32 v53, v16;
	v16 =	vmul.f32 v21, v21  }
0x159: {  	v55 =	vld [tilespmem:s28+$0x28C0];
	vm11 =	veq.s32 v29, $0x0;
	v19 =	vadd.f32 $1.000000000e+00, v19;
	v54 =	vpop (erf);
	v12 =	vadd.f32 $1.000000000e+00, v12  }
0x15a: {  	v21 =	vld [tilespmem:s28+$0x28B0];
	v18 =	vmul.f32 v16, v18;
	vm0 =	veq.s32 v5, $0x0;
	v5 =	vmul.f32 v54, v49  }
0x15b: {  	v19 =	vmul.f32 v19, v48;
	v6 =	vmul.f32 v12, v6;
	v12 =	vld [tilespmem:s28+$0xA330];
	v16 =	vsel vm0, v27, v14  }
0x15c: {  	vm10 =	veq.s32 v28, $0x0;
	v14 =	vld [tilespmem:s28+$0xA340];
	v27 =	vsub.f32 $0.0e+00, v16;
	v28 =	vmul.f32 v5, v24  }
0x15d: {  	v22 =	vmul.f32 v54, v22;
	v48 =	vsel vm3, v2, v3;
	v19 =	vsub.f32 v19, v26  }
0x15e: {  	v23 =	vsub.f32 v6, v23;
	vm3 =	vmmov vm0;
	v26 =	vmul.f32 v28, v28  }
0x15f: {  	v5 =	vsel vm10, v2, v3;
	v24 =	vmul.f32 v22, v24;
	v6 =	vmin.f32 v16, v27  }
0x160: {  	v12 =	vsel vm10, v21, v12;
	v6 =	vmul.f32 $1.442695020e+00, v6;
	v27 =	vpop (erf);
	v56 =	vmul.f32 $1.111111120e-01, v26  }
0x161: {  	v14 =	vsel vm11, v55, v14;
	v21 =	vmul.f32 v27, v31;
	v31 =	vsub.f32 $0.0e+00, v12  }
0x162: {  	v29 =	vpop (erf);
	(erf) = vpow2.f32 v6;
	v32 =	vsub.f32 $0.0e+00, v14;
	v34 =	vadd.f32 $1.428571490e-01, v56  }
0x163: {  	v20 =	vmul.f32 v29, v20;
	v21 =	vmul.f32 v21, v25;
	v31 =	vmin.f32 v12, v31  }
0x164: {  	v32 =	vmin.f32 v14, v32;
	v31 =	vmul.f32 $1.442695020e+00, v31;
	v34 =	vmul.f32 v34, v26  }
0x165: {  	v57 =	vmul.f32 v21, v21;
	v58 =	vadd.f32 v21, v21;
	v21 =	vmul.f32 $1.442695020e+00, v32  }
0x166: {  	v23 =	vmul.f32 v23, v30;
	(erf) = vpow2.f32 v31;
	v34 =	vadd.f32 $2.000000030e-01, v34  }
0x167: {  	vm15 =	vge.f32 v16, $0.0e+00;
	v20 =	vmul.f32 v20, v51;
	(erf) = vpow2.f32 v21  }
0x168: {  	v22 =	vsel vm12, v24, v22;
	v15 =	vmul.f32 v27, v15;
	v27 =	vmul.f32 v34, v26  }
0x169: {  	v28 =	vadd.f32 v28, v28;
	v59 =	vmul.f32 v20, v20;
	v31 =	vmul.f32 $1.111111120e-01, v57  }
0x16a: {  	vm4 =	vge.f32 v12, $0.0e+00;
	v22 =	vmul.f32 v22, v22;
	v27 =	vadd.f32 $3.333333430e-01, v27  }
0x16b: {  	vm6 =	vge.f32 v14, $0.0e+00;
	v60 =	vmul.f32 $1.111111120e-01, v59;
	v31 =	vadd.f32 $1.428571490e-01, v31;
	v21 =	vpop (erf)  }
0x16c: {  	v24 =	vmul.f32 v29, v52;
	v61 =	vadd.f32 $1.000000000e+00, v21;
	v26 =	vmul.f32 v27, v26  }
0x16d: {  	v25 =	vmul.f32 v15, v25;
	v29 =	vadd.f32 $1.428571490e-01, v60;
	v27 =	vmul.f32 v31, v57  }
0x16e: {  	v22 =	vmul.f32 v22, v48;
	v62 =	vadd.f32 $1.000000000e+00, v61;
	v26 =	vadd.f32 $1.000000000e+00, v26  }
0x16f: {  	v15 =	vsel vm2, v25, v15;
	v29 =	vmul.f32 v29, v59;
	v27 =	vadd.f32 $2.000000030e-01, v27;
	v63 =	vpop (erf)  }
0x170: {  	v45 =	vmul.f32 v62, v61;
	v46 =	vadd.f32 $1.000000000e+00, v63;
	v47 =	vpop (erf);
	v26 =	vmul.f32 v26, v28  }
0x171: {  	v31 =	vmul.f32 v24, v51;
	v28 =	vadd.f32 $2.000000030e-01, v29;
	v29 =	vadd.f32 $1.000000000e+00, v47  }
0x172: {  	(erf) = vrcp.f32 v45;
	v8 =	vsub.f32 v26, v8;
	v49 =	vadd.f32 $1.000000000e+00, v46  }
0x173: {  	v26 =	vmul.f32 v27, v57;
	v25 =	vmul.f32 v28, v59;
	v50 =	vadd.f32 $1.000000000e+00, v29  }
0x174: {  	v8 =	vmul.f32 v8, v22;
	v22 =	vsel vm1, v31, v24;
	v24 =	vmul.f32 v49, v46  }
0x175: {  	s28 =	simm.s32 $0x90;
	v15 =	vmul.f32 v15, v15;
	v26 =	vadd.f32 $3.333333430e-01, v26;
	v25 =	vadd.f32 $3.333333430e-01, v25  }
0x176: {  	v28 =	vld [tilespmem:s28+$0x28D0];
	v27 =	vmul.f32 v50, v29;
	v51 =	vadd.f32 v8, v11;
	(erf) = vrcp.f32 v24  }
0x177: {  	v11 =	vsel vm4, $0x0, v12;
	v24 =	vld [tilespmem:s28+$0x11DD0];
	v12 =	vmul.f32 v26, v57;
	v25 =	vmul.f32 v25, v59  }
0x178: {  	v8 =	vsel vm6, $0x0, v14;
	v14 =	vmul.f32 v15, v10;
	v10 =	vmul.f32 v22, v22;
	v22 =	vld [tilespmem:s28+$0x11DC0]  }
0x179: {  	v16 =	vsel vm15, $0x0, v16;
	v20 =	vadd.f32 v20, v20;
	v26 =	vld [tilespmem:s28+$0xA350];
	(erf) = vrcp.f32 v27  }
0x17a: {  	vm13 =	vmmov vm4;
	v27 =	vld [tilespmem:s28+$0x11DB0];
	v31 =	vadd.f32 $1.000000000e+00, v12;
	v25 =	vadd.f32 $1.000000000e+00, v25  }
0x17b: {  	v6 =	vsel vm11, v2, v3;
	v12 =	vmul.f32 v19, v18;
	v15 =	vmul.f32 v10, v9  }
0x17c: {  	vm14 =	vmmov vm6;
	v18 =	vld [tilespmem:s28+$0x28B0];
	v30 =	vpop (erf);
	v19 =	vmul.f32 v31, v58;
	v20 =	vmul.f32 v25, v20  }
0x17d: {  	v31 =	vld [tilespmem:s28+$0xA330];
	vm0 =	veq.s32 v24, $0x0;
	v9 =	vmul.f32 v30, v61;
	vm2 =	veq.s32 v22, $0x0  }
0x17e: {  	v24 =	vld [tilespmem:s28+$0x28C0];
	v10 =	vsel vm0, v28, v26;
	v19 =	vsub.f32 v19, v13;
	v13 =	vadd.f32 v23, v7  }
0x17f: {  	vm1 =	veq.s32 v27, $0x0;
	v23 =	vld [tilespmem:s28+$0xA340];
	v25 =	vsub.f32 $0.0e+00, v10;
	v27 =	vmul.f32 v9, v21  }
0x180: {  	v30 =	vmul.f32 v30, v62;
	v22 =	vsub.f32 v20, v17;
	v7 =	vsel vm2, v2, v3  }
0x181: {  	v9 =	vsel vm1, v2, v3;
	v17 =	vmin.f32 v10, v25;
	v20 =	vmul.f32 v27, v27;
	v28 =	vpop (erf)  }
0x182: {  	v52 =	vsel vm1, v18, v31;
	v17 =	vmul.f32 $1.442695020e+00, v17;
	v25 =	vmul.f32 v28, v46;
	v53 =	vpop (erf)  }
0x183: {  	v26 =	vsub.f32 $0.0e+00, v52;
	v29 =	vmul.f32 v53, v29;
	v31 =	vmul.f32 $1.111111120e-01, v20  }
0x184: {  	v18 =	vsel vm2, v24, v23;
	(erf) = vpow2.f32 v17;
	v17 =	vmul.f32 v25, v63  }
0x185: {  	v23 =	vmin.f32 v52, v26;
	v24 =	vsub.f32 $0.0e+00, v18;
	v26 =	vadd.f32 $1.428571490e-01, v31  }
0x186: {  	v23 =	vmul.f32 $1.442695020e+00, v23;
	v29 =	vmul.f32 v29, v47;
	v25 =	vadd.f32 v17, v17  }
0x187: {  	v24 =	vmin.f32 v18, v24;
	v54 =	vmul.f32 v17, v17;
	v17 =	vmul.f32 v26, v20  }
0x188: {  	v21 =	vmul.f32 v30, v21;
	v27 =	vadd.f32 v27, v27;
	v24 =	vmul.f32 $1.442695020e+00, v24  }
0x189: {  	(erf) = vpow2.f32 v23;
	v31 =	vmul.f32 v29, v29;
	v17 =	vadd.f32 $2.000000030e-01, v17  }
0x18a: {  	v30 =	vsel vm15, v21, v30;
	v23 =	vmul.f32 $1.111111120e-01, v54;
	(erf) = vpow2.f32 v24  }
0x18b: {  	v26 =	vadd.f32 v29, v29;
	v24 =	vmul.f32 v28, v49;
	v29 =	vmul.f32 v17, v20  }
0x18c: {  	vm2 =	vge.f32 v52, $0.0e+00;
	v28 =	vmul.f32 $1.111111120e-01, v31;
	v23 =	vadd.f32 $1.428571490e-01, v23  }
0x18d: {  	v32 =	vmul.f32 v53, v50;
	v55 =	vmul.f32 v24, v63;
	v17 =	vpop (erf);
	v29 =	vadd.f32 $3.333333430e-01, v29  }
0x18e: {  	v28 =	vadd.f32 $1.428571490e-01, v28;
	v23 =	vmul.f32 v23, v54;
	v33 =	vadd.f32 $1.000000000e+00, v17  }
0x18f: {  	vm1 =	vge.f32 v18, $0.0e+00;
	v56 =	vmul.f32 v32, v47;
	v29 =	vmul.f32 v29, v20  }
0x190: {  	v28 =	vmul.f32 v28, v31;
	v34 =	vsel vm13, v55, v24;
	v20 =	vadd.f32 $1.000000000e+00, v33  }
0x191: {  	v57 =	vadd.f32 $2.000000030e-01, v23;
	v36 =	vmul.f32 v34, v34;
	v24 =	vadd.f32 $1.000000000e+00, v29  }
0x192: {  	v59 =	vadd.f32 $2.000000030e-01, v28;
	v28 =	vsel vm3, v2, v3;
	v23 =	vpop (erf);
	v58 =	vmul.f32 v20, v33  }
0x193: {  	v29 =	vadd.f32 $1.000000000e+00, v23;
	v21 =	vpop (erf);
	v24 =	vmul.f32 v24, v27;
	v27 =	vmul.f32 v30, v30  }
0x194: {  	v60 =	vmul.f32 v57, v54;
	v30 =	vadd.f32 $1.000000000e+00, v21;
	(erf) = vrcp.f32 v58  }
0x195: {  	v16 =	vsub.f32 v24, v16;
	v27 =	vmul.f32 v27, v28;
	v28 =	vadd.f32 $1.000000000e+00, v29  }
0x196: {  	v61 =	vmul.f32 v59, v31;
	v63 =	vadd.f32 $3.333333430e-01, v60;
	v24 =	vadd.f32 $1.000000000e+00, v30  }
0x197: {  	s29 =	simm.s32 $0xC0;
	v35 =	vsel vm14, v56, v32;
	v16 =	vmul.f32 v16, v27;
	v62 =	vmul.f32 v28, v29  }
0x198: {  	v32 =	vld [tilespmem:s29+$0x28D0];
	v37 =	vadd.f32 $3.333333430e-01, v61;
	v39 =	vmul.f32 v63, v54;
	v38 =	vmul.f32 v24, v30  }
0x199: {  	s28 =	simm.s32 $0x3C0;
	v34 =	vld [tilespmem:s29+$0x11DD0];
	v27 =	vsel vm2, $0x0, v52;
	v16 =	vadd.f32 v16, v51;
	(erf) = vrcp.f32 v62  }
.LBB2_4:
0x19a: {  	v18 =	vsel vm1, $0x0, v18;
	(erf) = vrcp.f32 v38;
	v31 =	vmul.f32 v37, v31  }
0x19b: {  	p1 =	sne.s32 s28, $0xA200;
	v40 =	vld [tilespmem:s29+$0xA350];
	vm4 =	vmmov vm0;
	vm5 =	vmmov vm2;
	vm3 =	vmmov vm1  }
0x19c: {  	v36 =	vmul.f32 v36, v5;
	v35 =	vmul.f32 v35, v35;
	v5 =	vmovc v9;
	v37 =	vld [tilespmem:s29+$0x11DB0];
	v38 =	vadd.f32 $1.000000000e+00, v39  }
0x19d: {  	v39 =	vld [tilespmem:s29+$0x11DC0];
	v9 =	vadd.f32 $1.000000000e+00, v31;
	v31 =	vmul.f32 v19, v14;
	v19 =	vmul.f32 v22, v15  }
0x19e: {  	v4 =	vadd.f32 v12, v4;
	v15 =	vmul.f32 v35, v6;
	v41 =	vld [tilespmem:s29+$0x28B0];
	v42 =	vpop (erf);
	v22 =	vmul.f32 v38, v25  }
0x19f: {  	v14 =	vmovc v36;
	v25 =	vld [tilespmem:s29+$0xA330];
	vm0 =	veq.s32 v34, $0x0;
	v33 =	vmul.f32 v42, v33;
	v26 =	vmul.f32 v9, v26;
	v12 =	vmovc v19  }
0x1a0: {  	v6 =	vmovc v7;
	v13 =	vadd.f32 v31, v13;
	v34 =	vld [tilespmem:s29+$0x28C0];
	v32 =	vsel vm0, v32, v40;
	v19 =	vsub.f32 v22, v11  }
0x1a1: {  	v11 =	vmovc v27;
	vm1 =	veq.s32 v37, $0x0;
	v31 =	vld [tilespmem:s29+$0xA340];
	v35 =	vsub.f32 $0.0e+00, v32;
	v36 =	vmul.f32 v33, v17  }
0x1a2: {  	v22 =	vsub.f32 v26, v8;
	v8 =	vmovc v18;
	v9 =	vsel vm1, v2, v3;
	vm2 =	veq.s32 v39, $0x0  }
0x1a3: {  	v7 =	vsel vm2, v2, v3;
	v18 =	vmin.f32 v32, v35;
	v27 =	vmul.f32 v36, v36;
	v33 =	vpop (erf)  }
0x1a4: {  	v39 =	vsel vm1, v41, v25;
	v25 =	vmul.f32 $1.442695020e+00, v18;
	v26 =	vmul.f32 v33, v29;
	v29 =	vpop (erf)  }
0x1a5: {  	v35 =	vsub.f32 $0.0e+00, v39;
	v30 =	vmul.f32 v29, v30;
	v37 =	vmul.f32 $1.111111120e-01, v27  }
0x1a6: {  	v18 =	vsel vm2, v34, v31;
	(erf) = vpow2.f32 v25;
	v26 =	vmul.f32 v26, v23  }
0x1a7: {  	v25 =	vmin.f32 v39, v35;
	v31 =	vsub.f32 $0.0e+00, v18;
	v34 =	vadd.f32 $1.428571490e-01, v37  }
0x1a8: {  	v30 =	vmul.f32 v30, v21;
	v35 =	vmul.f32 $1.442695020e+00, v25;
	v25 =	vadd.f32 v26, v26  }
0x1a9: {  	v40 =	vmul.f32 v26, v26;
	v31 =	vmin.f32 v18, v31;
	v34 =	vmul.f32 v34, v27  }
0x1aa: {  	v26 =	vadd.f32 v30, v30;
	v37 =	vmul.f32 $1.442695020e+00, v31;
	(erf) = vpow2.f32 v35  }
0x1ab: {  	v35 =	vmul.f32 $1.111111120e-01, v40;
	v31 =	vmul.f32 v30, v30;
	v30 =	vadd.f32 $2.000000030e-01, v34  }
0x1ac: {  	v28 =	vmul.f32 v33, v28;
	vm2 =	vge.f32 v39, $0.0e+00;
	(erf) = vpow2.f32 v37  }
0x1ad: {  	v33 =	vadd.f32 $1.428571490e-01, v35;
	v34 =	vmul.f32 $1.111111120e-01, v31;
	v30 =	vmul.f32 v30, v27  }
0x1ae: {  	v23 =	vmul.f32 v28, v23;
	vm1 =	vge.f32 v18, $0.0e+00;
	v35 =	vmul.f32 v29, v24  }
0x1af: {  	v29 =	vmul.f32 v33, v40;
	v34 =	vadd.f32 $1.428571490e-01, v34;
	v24 =	vpop (erf);
	v30 =	vadd.f32 $3.333333430e-01, v30  }
0x1b0: {  	v37 =	vmul.f32 v35, v21;
	v21 =	vmul.f32 v42, v20;
	v33 =	vadd.f32 $1.000000000e+00, v24  }
0x1b1: {  	v38 =	vadd.f32 $2.000000030e-01, v29;
	v34 =	vmul.f32 v34, v31;
	v27 =	vmul.f32 v30, v27  }
0x1b2: {  	v41 =	vsel vm5, v23, v28;
	v28 =	vmul.f32 v21, v17;
	v17 =	vmovc v24;
	v20 =	vadd.f32 $1.000000000e+00, v33  }
0x1b3: {  	vm5 =	vge.f32 v10, $0.0e+00;
	v23 =	vpop (erf);
	v24 =	vadd.f32 $1.000000000e+00, v27;
	v27 =	vadd.f32 v36, v36  }
0x1b4: {  	v28 =	vsel vm5, v28, v21;
	v29 =	vadd.f32 $1.000000000e+00, v23;
	v36 =	vmul.f32 v20, v33  }
0x1b5: {  	v34 =	vadd.f32 $2.000000030e-01, v34;
	v21 =	vpop (erf);
	v24 =	vmul.f32 v24, v27;
	v27 =	vmul.f32 v28, v28  }
0x1b6: {  	v42 =	vsel vm5, $0x0, v10;
	v10 =	vmovc v32;
	v28 =	vsel vm4, v2, v3;
	v30 =	vadd.f32 $1.000000000e+00, v21  }
0x1b7: {  	(erf) = vrcp.f32 v36;
	v32 =	vsub.f32 v24, v42;
	v27 =	vmul.f32 v27, v28  }
.Ltmp1:
0x1b8: {  	v28 =	vadd.f32 $1.000000000e+00, v29;
	v36 =	vmul.f32 v38, v40;
	v24 =	vadd.f32 $1.000000000e+00, v30;
	(pc) =	sbr.rel @p1 .LBB2_4-.Ltmp1, $4  }
0x1b9: {  	v35 =	vsel vm3, v37, v35;
	v34 =	vmul.f32 v34, v31;
	v27 =	vmul.f32 v32, v27  }
0x1ba: {  	s29 =	sshra.s32 s28, $0x2;
	v42 =	vmul.f32 v28, v29;
	v43 =	vadd.f32 $3.333333430e-01, v36;
	v38 =	vmul.f32 v24, v30  }
0x1bb: {  	v37 =	vadd.f32 $3.333333430e-01, v34;
	v36 =	vmul.f32 v41, v41;
	v32 =	vld [tilespmem:s29+$0x28D0];
	v16 =	vadd.f32 v27, v16  }
0x1bc: {  	s28 =	sadd.s32 $0xC0, s28;
	v27 =	vsel vm2, $0x0, v39;
	v39 =	vmul.f32 v43, v40;
	v34 =	vld [tilespmem:s29+$0x11DD0];
	(erf) = vrcp.f32 v42  }
0x1bd: {  	v40 =	vld [tilespmem:s29+$0xA350]  }
0x1be: {  	v41 =	vld [tilespmem:s29+$0x11DB0]  }
0x1bf: {  	v42 =	vld [tilespmem:s29+$0x11DC0]  }
0x1c0: {  	v43 =	vld [tilespmem:s29+$0x28B0]  }
0x1c1: {  	v44 =	vld [tilespmem:s29+$0xA330]  }
0x1c2: {  	v45 =	vld [tilespmem:s29+$0x28C0]  }
0x1c3: {  	v46 =	vld [tilespmem:s29+$0xA340];
	_ =	sdelay $0x1  }
0x1c4: {  	vm3 =	veq.s32 v34, $0x0  }
0x1c5: {  	v32 =	vsel vm3, v32, v40;
	vm5 =	veq.s32 v41, $0x0  }
0x1c6: {  	vm4 =	veq.s32 v42, $0x0;
	v48 =	vsub.f32 $0.0e+00, v32;
	v40 =	vsel vm5, v43, v44  }
0x1c7: {  	v34 =	vsel vm4, v45, v46;
	v49 =	vsub.f32 $0.0e+00, v40  }
0x1c8: {  	v51 =	vsub.f32 $0.0e+00, v34;
	v50 =	vmin.f32 v32, v48  }
0x1c9: {  	v42 =	vmul.f32 $1.442695020e+00, v50;
	v41 =	vmin.f32 v40, v49  }
0x1ca: {  	(erf) = vrcp.f32 v38;
	v53 =	vmin.f32 v34, v51;
	v52 =	vmul.f32 $1.442695020e+00, v41  }
0x1cb: {  	v41 =	vmul.f32 $1.442695020e+00, v53;
	(erf) = vpow2.f32 v42  }
0x1cc: {  	(erf) = vpow2.f32 v52  }
0x1cd: {  	v54 =	vpop (erf);
	(erf) = vpow2.f32 v41  }
0x1ce: {  	v33 =	vmul.f32 v54, v33;
	_ =	sdelay $0x1  }
0x1cf: {  	v39 =	vadd.f32 $1.000000000e+00, v39;
	v55 =	vmul.f32 v33, v17  }
0x1d0: {  	v31 =	vmul.f32 v37, v31  }
0x1d1: {  	v25 =	vmul.f32 v39, v25;
	v56 =	vpop (erf);
	v58 =	vmul.f32 v55, v55  }
0x1d2: {  	v47 =	vmul.f32 v19, v14;
	v57 =	vpop (erf)  }
0x1d3: {  	v59 =	vadd.f32 $1.000000000e+00, v31;
	v25 =	vsub.f32 v25, v11;
	v60 =	vmul.f32 $1.111111120e-01, v58;
	v33 =	vpop (erf)  }
0x1d4: {  	v36 =	vmul.f32 v36, v5;
	v11 =	vadd.f32 v47, v13;
	v61 =	vadd.f32 $1.000000000e+00, v33;
	v31 =	vpop (erf)  }
0x1d5: {  	v5 =	vmul.f32 v22, v15;
	v19 =	vadd.f32 $1.428571490e-01, v60;
	v22 =	vadd.f32 $1.000000000e+00, v31;
	v14 =	vpop (erf)  }
0x1d6: {  	v26 =	vmul.f32 v59, v26;
	v62 =	vadd.f32 $1.000000000e+00, v61;
	v63 =	vadd.f32 $1.000000000e+00, v14  }
0x1d7: {  	v29 =	vmul.f32 v56, v29;
	v13 =	vmul.f32 v56, v28;
	v15 =	vadd.f32 $1.000000000e+00, v22  }
0x1d8: {  	v45 =	vmul.f32 v19, v58;
	v48 =	vmul.f32 v62, v61;
	v19 =	vadd.f32 $1.000000000e+00, v63  }
0x1d9: {  	v30 =	vmul.f32 v57, v30;
	v51 =	vmul.f32 v15, v22  }
0x1da: {  	v45 =	vadd.f32 $2.000000030e-01, v45;
	(erf) = vrcp.f32 v48;
	v52 =	vmul.f32 v19, v63  }
0x1db: {  	v30 =	vmul.f32 v30, v21;
	(erf) = vrcp.f32 v51  }
0x1dc: {  	v45 =	vmul.f32 v45, v58;
	(erf) = vrcp.f32 v52  }
0x1dd: {  	v4 =	vadd.f32 v12, v4;
	v8 =	vsub.f32 v26, v8;
	v29 =	vmul.f32 v29, v23  }
0x1de: {  	v23 =	vmul.f32 v13, v23;
	v26 =	vmul.f32 v30, v30;
	v12 =	vadd.f32 $3.333333430e-01, v45  }
0x1df: {  	vm2 =	vmmov vm2;
	v20 =	vmul.f32 v54, v20;
	v28 =	vmul.f32 v29, v29  }
0x1e0: {  	v13 =	vsel vm2, v23, v13;
	v23 =	vmul.f32 $1.111111120e-01, v26;
	v12 =	vmul.f32 v12, v58  }
0x1e1: {  	v35 =	vmul.f32 v35, v35;
	vm0 =	vmmov vm0;
	v53 =	vmul.f32 $1.111111120e-01, v28  }
0x1e2: {  	v17 =	vmul.f32 v20, v17;
	v54 =	vadd.f32 v55, v55;
	v12 =	vadd.f32 $1.000000000e+00, v12  }
0x1e3: {  	v6 =	vmul.f32 v35, v6;
	vm2 =	vge.f32 v10, $0.0e+00;
	v37 =	vadd.f32 $1.428571490e-01, v53;
	v55 =	vpop (erf)  }
0x1e4: {  	v17 =	vsel vm2, v17, v20;
	v20 =	vadd.f32 $1.428571490e-01, v23;
	v12 =	vmul.f32 v12, v54;
	v23 =	vpop (erf)  }
0x1e5: {  	v24 =	vmul.f32 v57, v24;
	v10 =	vsel vm2, $0x0, v10;
	v37 =	vmul.f32 v37, v28;
	v56 =	vpop (erf)  }
0x1e6: {  	v25 =	vmul.f32 v25, v36;
	v10 =	vsub.f32 v12, v10;
	v12 =	vmul.f32 v20, v26;
	_ =	swait.ge [sflag:s20], $0x28B0  }
0x1e7: {  	v17 =	vmul.f32 v17, v17;
	v20 =	vmul.f32 v24, v21;
	v21 =	vadd.f32 $2.000000030e-01, v37;
	[sflag:s20] =	ssyncset.done $0x0  }
0x1e8: {  	v59 =	vmul.f32 v8, v6;
	v57 =	vsel vm0, v2, v3;
	v12 =	vadd.f32 $2.000000030e-01, v12;
	[sflag:s20] =	ssyncadd.s32 $0xFFFFD750  }
0x1e9: {  	v18 =	vsel vm1, $0x0, v18;
	v17 =	vmul.f32 v17, v57;
	v21 =	vmul.f32 v21, v28;
	_ =	swait.ge [sflag:s20], $0x28B0  }
0x1ea: {  	vm0 =	vmmov vm1;
	vm1 =	vge.f32 v40, $0.0e+00;
	v58 =	vmul.f32 v12, v26;
	[sflag:s20] =	ssyncset.done $0x0  }
0x1eb: {  	v10 =	vmul.f32 v10, v17;
	v17 =	vadd.f32 v29, v29;
	v21 =	vadd.f32 $3.333333430e-01, v21;
	[sflag:s20] =	ssyncadd.s32 $0xFFFFD750  }
0x1ec: {  	v13 =	vmul.f32 v13, v13;
	v29 =	vadd.f32 v30, v30;
	v30 =	vadd.f32 $3.333333430e-01, v58;
	_ =	swait.ge [sflag:s20], $0x28B0  }
0x1ed: {  	vm2 =	vge.f32 v32, $0.0e+00;
	v20 =	vsel vm0, v20, v24;
	v21 =	vmul.f32 v21, v28;
	[sflag:s20] =	ssyncset.done $0x0  }
0x1ee: {  	s28 =	simm.s32 $0x0;
	v10 =	vadd.f32 v10, v16;
	v16 =	vmul.f32 v30, v26;
	v26 =	vmul.f32 v55, v61;
	[sflag:s20] =	ssyncadd.s32 $0xFFFFD750  }
0x1ef: {  	v32 =	vsel vm2, $0x0, v32;
	v9 =	vmul.f32 v13, v9;
	v13 =	vmul.f32 v20, v20;
	v20 =	vld [tilespmem:s28+$0x5170]  }
0x1f0: {  	v24 =	vsel vm5, v2, v3;
	v21 =	vadd.f32 $1.000000000e+00, v21;
	v26 =	vmul.f32 v26, v33;
	v30 =	vld [tilespmem:s28+$0x14670]  }
0x1f1: {  	vm0 =	vge.f32 v34, $0.0e+00;
	v7 =	vmul.f32 v13, v7;
	v16 =	vadd.f32 $1.000000000e+00, v16;
	v8 =	vld [tilespmem:s28+$0xCBF0]  }
0x1f2: {  	vm5 =	vmmov vm0;
	v6 =	vmul.f32 v21, v17;
	v13 =	vmul.f32 v26, v26;
	v21 =	vld [tilespmem:s28+$0x14660]  }
0x1f3: {  	s29 =	simm.s32 $0x0;
	v12 =	vsel vm4, v2, v3;
	v22 =	vmul.f32 v23, v22;
	v16 =	vmul.f32 v16, v29;
	v29 =	vld [tilespmem:s28+$0x5160]  }
0x1f4: {  	vm4 =	vmmov vm1;
	v61 =	vmul.f32 v55, v62;
	v60 =	vmul.f32 $1.111111120e-01, v13;
	v62 =	vld [tilespmem:s28+$0xCBE0];
	s28 =	sand.u32 $0x3FF0, s29  }
0x1f5: {  	v27 =	vsub.f32 v6, v27;
	v6 =	vmul.f32 v56, v63;
	v22 =	vmul.f32 v22, v31;
	s29 =	sadd.s32 $0x5180, s28;
	v63 =	vld [tilespmem:s28+$0x5180]  }
0x1f6: {  	v33 =	vmul.f32 v61, v33;
	v16 =	vsub.f32 v16, v18;
	v18 =	vadd.f32 $1.428571490e-01, v60;
	v44 =	vld [tilespmem:s29+$0xF500]  }
0x1f7: {  	v28 =	vsel vm1, $0x0, v40;
	v45 =	vmul.f32 v6, v14;
	v46 =	vmul.f32 v22, v22;
	v6 =	vld [tilespmem:s28+$0xCC00]  }
0x1f8: {  	v17 =	vsel vm0, $0x0, v34;
	v15 =	vmul.f32 v23, v15;
	v18 =	vmul.f32 v18, v13  }
0x1f9: {  	v33 =	vsel vm2, v33, v61;
	v47 =	vmul.f32 $1.111111120e-01, v46;
	vm1 =	veq.s32 v30, $0x0  }
0x1fa: {  	v18 =	vadd.f32 $2.000000030e-01, v18;
	vm2 =	veq.s32 v21, $0x0;
	v8 =	vsel vm1, v20, v8  }
0x1fb: {  	v21 =	vsel vm2, v29, v62;
	v20 =	vsub.f32 $0.0e+00, v8;
	vm0 =	veq.s32 v44, $0x0  }
0x1fc: {  	v18 =	vmul.f32 v18, v13;
	v29 =	vsub.f32 $0.0e+00, v21;
	v6 =	vsel vm0, v63, v6  }
0x1fd: {  	v30 =	vmul.f32 v45, v45;
	v20 =	vmin.f32 v8, v20;
	v35 =	vsub.f32 $0.0e+00, v6  }
0x1fe: {  	v18 =	vadd.f32 $3.333333430e-01, v18;
	v29 =	vmin.f32 v21, v29;
	v20 =	vmul.f32 $1.442695020e+00, v20  }
0x1ff: {  	v49 =	vmul.f32 $1.111111120e-01, v30;
	v29 =	vmul.f32 $1.442695020e+00, v29;
	v35 =	vmin.f32 v6, v35  }
0x200: {  	(erf) = vpow2.f32 v20;
	v20 =	vmul.f32 $1.442695020e+00, v35  }
0x201: {  	v48 =	vadd.f32 $1.428571490e-01, v47;
	v13 =	vmul.f32 v18, v13;
	(erf) = vpow2.f32 v29  }
0x202: {  	v19 =	vmul.f32 v56, v19;
	v50 =	vadd.f32 $1.428571490e-01, v49;
	(erf) = vpow2.f32 v20  }
0x203: {  	v23 =	vadd.f32 v26, v26;
	v34 =	vmul.f32 v48, v46;
	v13 =	vadd.f32 $1.000000000e+00, v13  }
0x204: {  	vm3 =	vmmov vm3;
	v26 =	vmul.f32 v15, v31;
	v20 =	vmul.f32 v50, v30  }
0x205: {  	v18 =	vadd.f32 $2.000000030e-01, v34;
	v13 =	vmul.f32 v13, v23;
	v23 =	vmul.f32 v33, v33  }
0x206: {  	v15 =	vsel vm4, v26, v15;
	v26 =	vsel vm3, v2, v3;
	v20 =	vadd.f32 $2.000000030e-01, v20  }
0x207: {  	v4 =	vadd.f32 v5, v4;
	v18 =	vmul.f32 v18, v46;
	v23 =	vmul.f32 v23, v26  }
0x208: {  	v22 =	vadd.f32 v22, v22;
	v14 =	vmul.f32 v19, v14;
	v20 =	vmul.f32 v20, v30  }
0x209: {  	v9 =	vmul.f32 v27, v9;
	v18 =	vadd.f32 $3.333333430e-01, v18;
	v13 =	vsub.f32 v13, v32;
	v26 =	vpop (erf)  }
0x20a: {  	v14 =	vsel vm5, v14, v19;
	v15 =	vmul.f32 v15, v15;
	v20 =	vadd.f32 $3.333333430e-01, v20;
	v31 =	vpop (erf)  }
0x20b: {  	v18 =	vmul.f32 v18, v46;
	v13 =	vmul.f32 v13, v23;
	v19 =	vadd.f32 $1.000000000e+00, v26;
	v23 =	vpop (erf)  }
0x20c: {  	v14 =	vmul.f32 v14, v14;
	v20 =	vmul.f32 v20, v30;
	v30 =	vadd.f32 $1.000000000e+00, v23  }
0x20d: {  	v15 =	vmul.f32 v15, v24;
	v18 =	vadd.f32 $1.000000000e+00, v18;
	v24 =	vadd.f32 $1.000000000e+00, v19  }
0x20e: {  	v7 =	vmul.f32 v16, v7;
	s28 =	simm.s32 $0x30;
	v51 =	vadd.f32 $1.000000000e+00, v31;
	v52 =	vadd.f32 $1.000000000e+00, v30  }
0x20f: {  	v11 =	vadd.f32 v25, v11;
	v12 =	vmul.f32 v14, v12;
	v53 =	vld [tilespmem:s28+$0x5170];
	v27 =	vmul.f32 v24, v19  }
0x210: {  	v16 =	vmul.f32 v18, v22;
	v22 =	vld [tilespmem:s28+$0x14670];
	v18 =	vadd.f32 $1.000000000e+00, v51;
	v5 =	vmul.f32 v52, v30  }
0x211: {  	v29 =	vadd.f32 v45, v45;
	v20 =	vadd.f32 $1.000000000e+00, v20;
	(erf) = vrcp.f32 v27;
	v27 =	vld [tilespmem:s28+$0xCBF0]  }
0x212: {  	v14 =	vsub.f32 v16, v28;
	v25 =	vmul.f32 v18, v51;
	(erf) = vrcp.f32 v5  }
0x213: {  	v16 =	vld [tilespmem:s28+$0x14660];
	v20 =	vmul.f32 v20, v29  }
0x214: {  	v4 =	vadd.f32 v59, v4;
	v14 =	vmul.f32 v14, v15;
	v15 =	vld [tilespmem:s28+$0x5160];
	(erf) = vrcp.f32 v25  }
0x215: {  	vm5 =	veq.s32 v22, $0x0;
	v5 =	vsub.f32 v20, v17;
	v17 =	vld [tilespmem:s28+$0xCBE0];
	s28 =	simm.s32 $0x30  }
0x216: {  	v9 =	vadd.f32 v9, v11;
	v7 =	vadd.f32 v7, v4;
	s28 =	sand.u32 $0x3FF0, s28;
	v11 =	vsel vm5, v53, v27  }
0x217: {  	vm3 =	vmmov vm1;
	v5 =	vmul.f32 v5, v12;
	s29 =	sadd.s32 $0x5180, s28;
	v12 =	vsub.f32 $0.0e+00, v11  }
0x218: {  	vm6 =	vmmov vm3;
	v10 =	vadd.f32 v13, v10;
	v4 =	vadd.f32 v14, v9;
	v13 =	vld [tilespmem:s29+$0xF500]  }
0x219: {  	vm1 =	veq.s32 v16, $0x0;
	v16 =	vld [tilespmem:s28+$0xCC00];
	v9 =	vadd.f32 v5, v7;
	v7 =	vmin.f32 v11, v12  }
0x21a: {  	v14 =	vsel vm2, v2, v3;
	vm2 =	vge.f32 v21, $0.0e+00;
	v5 =	vld [tilespmem:s28+$0x5180];
	v20 =	vpop (erf);
	v7 =	vmul.f32 $1.442695020e+00, v7  }
0x21b: {  	v15 =	vsel vm1, v15, v17;
	v12 =	vsel vm2, $0x0, v21;
	v17 =	vmul.f32 v20, v19;
	v21 =	vpop (erf)  }
0x21c: {  	v19 =	vsub.f32 $0.0e+00, v15;
	(erf) = vpow2.f32 v7;
	v22 =	vmul.f32 v21, v30  }
0x21d: {  	v7 =	vsel vm1, v2, v3;
	vm1 =	veq.s32 v13, $0x0;
	v17 =	vmul.f32 v17, v26;
	v25 =	vpop (erf)  }
0x21e: {  	v19 =	vmin.f32 v15, v19;
	v27 =	vmul.f32 v25, v51;
	v22 =	vmul.f32 v22, v23  }
0x21f: {  	v13 =	vsel vm1, v5, v16;
	v5 =	vmul.f32 $1.442695020e+00, v19;
	v28 =	vmul.f32 v17, v17  }
0x220: {  	v16 =	vsub.f32 $0.0e+00, v13;
	v19 =	vmul.f32 v27, v31;
	v27 =	vmul.f32 v22, v22  }
0x221: {  	vm4 =	vmmov vm0;
	(erf) = vpow2.f32 v5;
	v29 =	vmul.f32 $1.111111120e-01, v28  }
0x222: {  	v5 =	vmin.f32 v13, v16;
	v30 =	vmul.f32 v19, v19;
	v16 =	vmul.f32 $1.111111120e-01, v27  }
0x223: {  	v60 =	vsel vm6, v2, v3;
	v5 =	vmul.f32 $1.442695020e+00, v5;
	v29 =	vadd.f32 $1.428571490e-01, v29  }
0x224: {  	vm0 =	vmmov vm5;
	v54 =	vmul.f32 $1.111111120e-01, v30;
	v55 =	vadd.f32 $1.428571490e-01, v16  }
0x225: {  	vm5 =	vge.f32 v8, $0.0e+00;
	(erf) = vpow2.f32 v5;
	v5 =	vmul.f32 v29, v28  }
0x226: {  	v25 =	vmul.f32 v25, v18;
	v18 =	vadd.f32 $1.428571490e-01, v54;
	v16 =	vpop (erf);
	v56 =	vmul.f32 v55, v27  }
0x227: {  	vm3 =	vge.f32 v15, $0.0e+00;
	v5 =	vadd.f32 $2.000000030e-01, v5;
	v29 =	vadd.f32 $1.000000000e+00, v16  }
0x228: {  	v20 =	vmul.f32 v20, v24;
	v57 =	vmul.f32 v18, v30;
	v18 =	vadd.f32 $2.000000030e-01, v56  }
0x229: {  	v21 =	vmul.f32 v21, v52;
	v58 =	vmul.f32 v5, v28;
	v24 =	vadd.f32 $1.000000000e+00, v29  }
0x22a: {  	v5 =	vsel vm3, $0x0, v15;
	v15 =	vmul.f32 v20, v26;
	v18 =	vmul.f32 v18, v27  }
0x22b: {  	v8 =	vsel vm5, $0x0, v8;
	v23 =	vmul.f32 v21, v23;
	v26 =	vmul.f32 v24, v29  }
0x22c: {  	v32 =	vadd.f32 $3.333333430e-01, v58;
	v15 =	vsel vm5, v15, v20;
	v20 =	vadd.f32 $3.333333430e-01, v18  }
0x22d: {  	v17 =	vadd.f32 v17, v17;
	v31 =	vmul.f32 v25, v31;
	v59 =	vpop (erf);
	(erf) = vrcp.f32 v26  }
0x22e: {  	v22 =	vadd.f32 v22, v22;
	v26 =	vmul.f32 v32, v28;
	v18 =	vpop (erf);
	v20 =	vmul.f32 v20, v27  }
0x22f: {  	v61 =	vadd.f32 $1.000000000e+00, v59;
	vm5 =	vge.f32 v6, $0.0e+00;
	v27 =	vadd.f32 $1.000000000e+00, v18  }
0x230: {  	v21 =	vsel vm5, v23, v21;
	v26 =	vadd.f32 $1.000000000e+00, v26;
	v20 =	vadd.f32 $1.000000000e+00, v20  }
0x231: {  	s28 =	simm.s32 $0x60;
	v15 =	vmul.f32 v15, v15;
	v21 =	vmul.f32 v21, v21;
	v28 =	vadd.f32 $1.000000000e+00, v27  }
0x232: {  	v63 =	vsel vm4, v2, v3;
	v40 =	vld [tilespmem:s28+$0xCBF0];
	v17 =	vmul.f32 v26, v17;
	v20 =	vmul.f32 v20, v22  }
0x233: {  	v42 =	vld [tilespmem:s28+$0x5160];
	v23 =	vadd.f32 $1.000000000e+00, v61;
	v6 =	vsel vm5, $0x0, v6;
	v62 =	vmul.f32 v28, v27  }
0x234: {  	v22 =	vld [tilespmem:s28+$0x14670];
	v8 =	vsub.f32 v17, v8;
	v17 =	vmul.f32 v21, v63;
	v6 =	vsub.f32 v20, v6  }
0x235: {  	v41 =	vadd.f32 $2.000000030e-01, v57;
	v15 =	vmul.f32 v15, v60;
	v26 =	vld [tilespmem:s28+$0x5170];
	v21 =	vmul.f32 v23, v61  }
0x236: {  	v20 =	vld [tilespmem:s28+$0x14660];
	(erf) = vrcp.f32 v62;
	v6 =	vmul.f32 v6, v17  }
0x237: {  	vm2 =	vmmov vm2;
	v17 =	vld [tilespmem:s28+$0xCBE0];
	(erf) = vrcp.f32 v21;
	v21 =	vmul.f32 v41, v30  }
0x238: {  	vm4 =	vmmov vm0;
	v8 =	vmul.f32 v8, v15;
	v15 =	vsel vm2, v31, v25  }
0x239: {  	s28 =	simm.s32 $0x60;
	v15 =	vmul.f32 v15, v15;
	vm6 =	veq.s32 v22, $0x0;
	v21 =	vadd.f32 $3.333333430e-01, v21  }
0x23a: {  	v31 =	vadd.f32 v8, v9;
	s28 =	sand.u32 $0x3FF0, s28;
	v9 =	vsel vm6, v26, v40;
	v26 =	vadd.f32 v6, v10  }
0x23b: {  	s29 =	sadd.s32 $0x5180, s28;
	v10 =	vld [tilespmem:s28+$0x5180];
	vm2 =	veq.s32 v20, $0x0;
	v6 =	vsub.f32 $0.0e+00, v9;
	v20 =	vmul.f32 v21, v30  }
0x23c: {  	v56 =	vsel vm4, v2, v3;
	v30 =	vmul.f32 v15, v14;
	v15 =	vld [tilespmem:s29+$0xF500];
	v14 =	vsel vm2, v42, v17;
	v17 =	vpop (erf)  }
0x23d: {  	v22 =	vld [tilespmem:s28+$0xCC00];
	v6 =	vmin.f32 v9, v6;
	v25 =	vadd.f32 $1.000000000e+00, v20;
	v20 =	vmul.f32 v17, v29  }
0x23e: {  	vm4 =	vge.f32 v13, $0.0e+00;
	v21 =	vsub.f32 $0.0e+00, v14;
	v6 =	vmul.f32 $1.442695020e+00, v6  }
0x23f: {  	v19 =	vadd.f32 v19, v19;
	v13 =	vsel vm4, $0x0, v13;
	v8 =	vsel vm2, v2, v3;
	v29 =	vpop (erf)  }
0x240: {  	v21 =	vmin.f32 v14, v21;
	(erf) = vpow2.f32 v6;
	v6 =	vmul.f32 v29, v27  }
0x241: {  	v21 =	vmul.f32 $1.442695020e+00, v21;
	v27 =	vmul.f32 v20, v16;
	vm0 =	veq.s32 v15, $0x0;
	v20 =	vpop (erf)  }
0x242: {  	v24 =	vmul.f32 v17, v24;
	v10 =	vsel vm0, v10, v22;
	v15 =	vmul.f32 v20, v61  }
0x243: {  	v43 =	vmul.f32 v6, v18;
	(erf) = vpow2.f32 v21;
	v21 =	vsub.f32 $0.0e+00, v10  }
0x244: {  	vm2 =	vge.f32 v14, $0.0e+00;
	v44 =	vmul.f32 v27, v27;
	v22 =	vmul.f32 v20, v23  }
0x245: {  	v15 =	vmul.f32 v15, v59;
	v45 =	vmul.f32 v43, v43;
	v21 =	vmin.f32 v10, v21  }
0x246: {  	v6 =	vsel vm2, $0x0, v14;
	v14 =	vmul.f32 $1.111111120e-01, v44;
	v21 =	vmul.f32 $1.442695020e+00, v21  }
0x247: {  	vm5 =	vmmov vm3;
	v20 =	vmul.f32 v15, v15;
	v23 =	vmul.f32 $1.111111120e-01, v45  }
0x248: {  	v51 =	vmul.f32 v25, v19;
	v35 =	vmul.f32 v22, v59;
	v46 =	vadd.f32 $1.428571490e-01, v14  }
0x249: {  	(erf) = vpow2.f32 v21;
	v47 =	vmul.f32 $1.111111120e-01, v20;
	v48 =	vadd.f32 $1.428571490e-01, v23  }
0x24a: {  	vm3 =	vmmov vm1;
	v16 =	vmul.f32 v24, v16;
	v21 =	vmul.f32 v46, v44  }
0x24b: {  	v35 =	vsel vm5, v35, v22;
	v22 =	vadd.f32 $1.428571490e-01, v47;
	v49 =	vmul.f32 v48, v45  }
0x24c: {  	v28 =	vmul.f32 v29, v28;
	v38 =	vsub.f32 v51, v12;
	v50 =	vadd.f32 $2.000000030e-01, v21  }
0x24d: {  	v27 =	vadd.f32 v27, v27;
	v52 =	vmul.f32 v22, v20;
	v22 =	vadd.f32 $2.000000030e-01, v49  }
0x24e: {  	v57 =	vmul.f32 v28, v18;
	vm5 =	vge.f32 v11, $0.0e+00;
	v14 =	vpop (erf);
	v25 =	vmul.f32 v50, v44  }
0x24f: {  	v16 =	vsel vm5, v16, v24;
	v23 =	vadd.f32 $1.000000000e+00, v14;
	v54 =	vmul.f32 v22, v45  }
0x250: {  	v61 =	vsel vm3, v2, v3;
	v32 =	vadd.f32 v43, v43;
	v25 =	vadd.f32 $3.333333430e-01, v25  }
0x251: {  	v34 =	vmul.f32 v38, v30;
	v17 =	vadd.f32 $1.000000000e+00, v23;
	v19 =	vpop (erf);
	v55 =	vadd.f32 $3.333333430e-01, v54  }
0x252: {  	v28 =	vsel vm4, v57, v28;
	v24 =	vmul.f32 v16, v16;
	v33 =	vmul.f32 v25, v44;
	v16 =	vpop (erf)  }
0x253: {  	v53 =	vmul.f32 v17, v23;
	v25 =	vadd.f32 $1.000000000e+00, v16;
	v29 =	vmul.f32 v55, v45  }
0x254: {  	v28 =	vmul.f32 v28, v28;
	v21 =	vadd.f32 $1.000000000e+00, v19;
	v33 =	vadd.f32 $1.000000000e+00, v33  }
0x255: {  	s29 =	simm.s32 $0x90;
	(erf) = vrcp.f32 v53;
	v18 =	vadd.f32 $1.000000000e+00, v25;
	v29 =	vadd.f32 $1.000000000e+00, v29  }
0x256: {  	v58 =	vld [tilespmem:s29+$0x5170];
	v11 =	vsel vm5, $0x0, v11;
	v22 =	vadd.f32 $1.000000000e+00, v21;
	v27 =	vmul.f32 v33, v27  }
0x257: {  	v59 =	vld [tilespmem:s29+$0x14670];
	v63 =	vadd.f32 $2.000000030e-01, v52;
	v60 =	vmul.f32 v18, v25;
	v29 =	vmul.f32 v29, v32  }
0x258: {  	v62 =	vld [tilespmem:s29+$0xCBF0];
	v11 =	vsub.f32 v27, v11;
	v27 =	vmul.f32 v28, v61;
	v28 =	vmul.f32 v22, v21  }
0x259: {  	v24 =	vmul.f32 v24, v56;
	(erf) = vrcp.f32 v60;
	v13 =	vsub.f32 v29, v13;
	v29 =	vld [tilespmem:s29+$0x14660]  }
0x25a: {  	vm1 =	vmmov vm6;
	(erf) = vrcp.f32 v28;
	v28 =	vmul.f32 v63, v20  }
0x25b: {  	vm3 =	vmmov vm2;
	v11 =	vmul.f32 v11, v24;
	v24 =	vmul.f32 v13, v27;
	v27 =	vld [tilespmem:s29+$0x5160]  }
0x25c: {  	v15 =	vadd.f32 v15, v15;
	vm2 =	veq.s32 v59, $0x0;
	v36 =	vadd.f32 $3.333333430e-01, v28;
	v28 =	vld [tilespmem:s29+$0xCBE0]  }
0x25d: {  	s28 =	simm.s32 $0x90;
	v35 =	vmul.f32 v35, v35;
	v13 =	vadd.f32 v11, v31;
	v11 =	vsel vm2, v58, v62  }
0x25e: {  	s30 =	sand.u32 $0x3FF0, s28;
	s29 =	simm.s32 $0x300;
	v12 =	vadd.f32 v24, v26;
	v26 =	vpop (erf);
	vm6 =	veq.s32 v29, $0x0;
	v29 =	vsub.f32 $0.0e+00, v11  }
.LBB2_6:
0x25f: {  	v20 =	vmul.f32 v36, v20;
	v24 =	vmul.f32 v35, v7  }
0x260: {  	p1 =	sne.s32 s29, $0xA200;
	s0 =	sadd.s32 $0x5180, s30;
	v30 =	vld [tilespmem:s30+$0x5180];
	v7 =	vmovc v8;
	v8 =	vsel vm6, v2, v3;
	vm5 =	vmmov vm0;
	vm7 =	vmmov vm1  }
0x261: {  	v27 =	vsel vm6, v27, v28;
	v28 =	vmin.f32 v11, v29;
	v29 =	vld [tilespmem:s0+$0xF500];
	v4 =	vadd.f32 v34, v4  }
0x262: {  	v31 =	vsub.f32 $0.0e+00, v27;
	v28 =	vmul.f32 $1.442695020e+00, v28;
	v32 =	vld [tilespmem:s30+$0xCC00];
	v33 =	vadd.f32 $1.000000000e+00, v20  }
0x263: {  	v35 =	vmul.f32 v26, v23;
	vm1 =	vmmov vm2;
	vm4 =	vge.f32 v27, $0.0e+00;
	v34 =	vpop (erf)  }
0x264: {  	v23 =	vmin.f32 v27, v31;
	(erf) = vpow2.f32 v28;
	v25 =	vmul.f32 v34, v25  }
0x265: {  	v31 =	vsel vm4, $0x0, v27;
	v27 =	vmul.f32 v35, v14;
	v23 =	vmul.f32 $1.442695020e+00, v23;
	v20 =	vpop (erf)  }
0x266: {  	vm0 =	veq.s32 v29, $0x0;
	v21 =	vmul.f32 v20, v21;
	v28 =	vmul.f32 v25, v16  }
0x267: {  	v25 =	vmul.f32 v27, v27;
	v29 =	vsel vm0, v30, v32;
	(erf) = vpow2.f32 v23  }
0x268: {  	v23 =	vsub.f32 $0.0e+00, v29;
	v21 =	vmul.f32 v21, v19;
	v30 =	vmul.f32 v28, v28  }
0x269: {  	v22 =	vmul.f32 v20, v22;
	v32 =	vmul.f32 $1.111111120e-01, v25  }
0x26a: {  	v23 =	vmin.f32 v29, v23;
	v20 =	vmul.f32 v21, v21;
	v35 =	vmul.f32 $1.111111120e-01, v30  }
0x26b: {  	v19 =	vmul.f32 v22, v19;
	v32 =	vadd.f32 $1.428571490e-01, v32;
	v23 =	vmul.f32 $1.442695020e+00, v23  }
0x26c: {  	v21 =	vadd.f32 v21, v21;
	v36 =	vmul.f32 $1.111111120e-01, v20;
	v35 =	vadd.f32 $1.428571490e-01, v35  }
0x26d: {  	v38 =	vsel vm3, v19, v22;
	v39 =	vmul.f32 v32, v25;
	v37 =	vpop (erf);
	(erf) = vpow2.f32 v23  }
0x26e: {  	v23 =	vadd.f32 $1.000000000e+00, v37;
	v22 =	vadd.f32 $1.428571490e-01, v36;
	v32 =	vmul.f32 v35, v30  }
0x26f: {  	v26 =	vmul.f32 v26, v17;
	v33 =	vmul.f32 v33, v15;
	v15 =	vmovc v21;
	v35 =	vadd.f32 $2.000000030e-01, v39  }
0x270: {  	v17 =	vadd.f32 $1.000000000e+00, v23;
	v19 =	vpop (erf);
	v36 =	vmul.f32 v22, v20;
	v22 =	vadd.f32 $2.000000030e-01, v32  }
0x271: {  	v32 =	vmul.f32 v35, v25;
	v35 =	vmul.f32 v26, v14;
	v14 =	vmovc v37;
	v21 =	vadd.f32 $1.000000000e+00, v19  }
0x272: {  	vm2 =	vge.f32 v9, $0.0e+00;
	v37 =	vmul.f32 v17, v23;
	v39 =	vmul.f32 v22, v30  }
0x273: {  	v32 =	vadd.f32 $3.333333430e-01, v32;
	v26 =	vsel vm2, v35, v26;
	v22 =	vadd.f32 $1.000000000e+00, v21  }
0x274: {  	v26 =	vmul.f32 v26, v26;
	(erf) = vrcp.f32 v37;
	v35 =	vadd.f32 $3.333333430e-01, v39  }
0x275: {  	v34 =	vmul.f32 v34, v18;
	v37 =	vsel vm7, v2, v3;
	v32 =	vmul.f32 v32, v25  }
0x276: {  	v27 =	vadd.f32 v27, v27;
	v37 =	vmul.f32 v26, v37;
	v18 =	vpop (erf);
	v26 =	vmul.f32 v35, v30  }
0x277: {  	v30 =	vadd.f32 $1.000000000e+00, v32;
	v32 =	vmul.f32 v34, v16;
	v25 =	vadd.f32 $1.000000000e+00, v18;
	v16 =	vmovc v18  }
0x278: {  	v28 =	vadd.f32 v28, v28;
	vm3 =	vge.f32 v10, $0.0e+00;
	v26 =	vadd.f32 $1.000000000e+00, v26  }
0x279: {  	s0 =	sshra.s32 s29, $0x2;
	v27 =	vmul.f32 v30, v27;
	v30 =	vsel vm3, v32, v34;
	v18 =	vadd.f32 $1.000000000e+00, v25  }
0x27a: {  	v34 =	vsel vm2, $0x0, v9;
	v9 =	vmovc v11;
	v32 =	vld [tilespmem:s0+$0x5170];
	v41 =	vmul.f32 v26, v28;
	v28 =	vmul.f32 v30, v30  }
0x27b: {  	v39 =	vsel vm3, $0x0, v10;
	v10 =	vmovc v29;
	v35 =	vsel vm5, v2, v3;
	v11 =	vld [tilespmem:s0+$0x14670];
	v30 =	vmul.f32 v18, v25  }
0x27c: {  	v34 =	vsub.f32 v27, v34;
	v29 =	vld [tilespmem:s0+$0xCBF0];
	v39 =	vsub.f32 v41, v39;
	v28 =	vmul.f32 v28, v35  }
0x27d: {  	v35 =	vmul.f32 v22, v21;
	v40 =	vld [tilespmem:s0+$0x14660];
	v26 =	vpop (erf);
	(erf) = vrcp.f32 v30;
	v30 =	vadd.f32 $2.000000030e-01, v36  }
.Ltmp2:
0x27e: {  	v33 =	vsub.f32 v33, v5;
	v5 =	vmovc v6;
	v34 =	vmul.f32 v34, v37;
	v27 =	vld [tilespmem:s0+$0x5160];
	v36 =	vmul.f32 v39, v28;
	(pc) =	sbr.rel @p1 .LBB2_6-.Ltmp2, $4  }
0x27f: {  	v6 =	vmovc v31;
	vm3 =	vmmov vm4;
	v28 =	vld [tilespmem:s0+$0xCBE0];
	(erf) = vrcp.f32 v35;
	v30 =	vmul.f32 v30, v20  }
0x280: {  	v13 =	vadd.f32 v34, v13;
	vm2 =	veq.s32 v11, $0x0;
	v12 =	vadd.f32 v36, v12  }
0x281: {  	s28 =	sadd.s32 $0x30, s28;
	v35 =	vmul.f32 v38, v38;
	v11 =	vsel vm2, v32, v29;
	v36 =	vadd.f32 $3.333333430e-01, v30  }
0x282: {  	s29 =	sadd.s32 $0xC0, s29;
	s30 =	sand.u32 $0x3FF0, s28;
	v34 =	vmul.f32 v33, v24;
	vm6 =	veq.s32 v40, $0x0;
	v29 =	vsub.f32 $0.0e+00, v11  }
0x283: {  	s0 =	sadd.s32 $0x5180, s30;
	v24 =	vld [tilespmem:s30+$0x5180]  }
0x284: {  	v30 =	vld [tilespmem:s0+$0xF500]  }
0x285: {  	v31 =	vld [tilespmem:s30+$0xCC00];
	_ =	sdelay $0x3  }
0x286: {  	v33 =	vsel vm6, v27, v28;
	vm5 =	veq.s32 v30, $0x0  }
0x287: {  	v27 =	vsub.f32 $0.0e+00, v33;
	v24 =	vsel vm5, v24, v31  }
0x288: {  	v51 =	vmin.f32 v11, v29;
	v52 =	vsub.f32 $0.0e+00, v24  }
0x289: {  	v28 =	vmul.f32 $1.442695020e+00, v51;
	v27 =	vmin.f32 v33, v27  }
0x28a: {  	v27 =	vmul.f32 $1.442695020e+00, v27;
	v29 =	vmin.f32 v24, v52  }
0x28b: {  	(erf) = vpow2.f32 v28;
	v53 =	vmul.f32 $1.442695020e+00, v29  }
0x28c: {  	(erf) = vpow2.f32 v27  }
0x28d: {  	(erf) = vpow2.f32 v53;
	_ =	sdelay $0x4  }
0x28e: {  	v37 =	vpop (erf)  }
0x28f: {  	v38 =	vpop (erf)  }
0x290: {  	v29 =	vpop (erf)  }
0x291: {  	v32 =	vpop (erf)  }
0x292: {  	v39 =	vadd.f32 $1.000000000e+00, v29;
	v27 =	vpop (erf)  }
0x293: {  	v40 =	vadd.f32 $1.000000000e+00, v27  }
0x294: {  	v31 =	vadd.f32 $1.000000000e+00, v39;
	v41 =	vadd.f32 $1.000000000e+00, v32  }
0x295: {  	v28 =	vadd.f32 $1.000000000e+00, v40  }
0x296: {  	v54 =	vmul.f32 v31, v39;
	v42 =	vadd.f32 $1.000000000e+00, v41  }
0x297: {  	v43 =	vmul.f32 v28, v40  }
0x298: {  	(erf) = vrcp.f32 v54;
	v55 =	vmul.f32 v42, v41  }
0x299: {  	(erf) = vrcp.f32 v43  }
0x29a: {  	(erf) = vrcp.f32 v55;
	_ =	sdelay $0x6  }
0x29b: {  	v43 =	vpop (erf)  }
0x29c: {  	v30 =	vpop (erf)  }
0x29d: {  	v44 =	vpop (erf)  }
0x29e: {  	_ =	swait.ge [sflag:s25], $0x10  }
0x29f: {  	[sflag:s25] =	ssyncset.done $0x0  }
0x2a0: {  	[sflag:s25] =	ssyncadd.s32 $0xFFFFFFF0  }
0x2a1: {  	_ =	swait.ge [sflag:s25], $0x10  }
0x2a2: {  	[sflag:s25] =	ssyncset.done $0x0  }
0x2a3: {  	v23 =	vmul.f32 v26, v23;
	[sflag:s25] =	ssyncadd.s32 $0xFFFFFFF0  }
0x2a4: {  	_ =	swait.ge [sflag:s25], $0x10  }
0x2a5: {  	v23 =	vmul.f32 v23, v14;
	[sflag:s25] =	ssyncset.done $0x0  }
0x2a6: {  	v25 =	vmul.f32 v37, v25;
	[sflag:s25] =	ssyncadd.s32 $0xFFFFFFF0  }
0x2a7: {  	v47 =	vmul.f32 v23, v23;
	v45 =	vld [tilespmem:$0x16F10]  }
0x2a8: {  	v20 =	vmul.f32 v36, v20;
	v25 =	vmul.f32 v25, v16;
	v46 =	vld [tilespmem:$0x7A10]  }
0x2a9: {  	v35 =	vmul.f32 v35, v7;
	v56 =	vmul.f32 $1.111111120e-01, v47;
	v48 =	vld [tilespmem:$0xF490]  }
0x2aa: {  	v17 =	vmul.f32 v26, v17;
	v57 =	vmul.f32 v25, v25  }
0x2ab: {  	vm7 =	vge.f32 v9, $0.0e+00;
	vm1 =	vmmov vm1;
	v58 =	vadd.f32 $1.428571490e-01, v56  }
0x2ac: {  	vm8 =	vge.f32 v10, $0.0e+00;
	v21 =	vmul.f32 v38, v21;
	v59 =	vmul.f32 $1.111111120e-01, v57  }
0x2ad: {  	v22 =	vmul.f32 v38, v22;
	v38 =	vmul.f32 v58, v47;
	vm4 =	veq.s32 v45, $0x0  }
0x2ae: {  	v20 =	vadd.f32 $1.000000000e+00, v20;
	v45 =	vadd.f32 $1.428571490e-01, v59;
	v7 =	vsel vm4, v46, v48  }
0x2af: {  	vm0 =	vmmov vm0;
	v62 =	vadd.f32 $2.000000030e-01, v38;
	v61 =	vsub.f32 $0.0e+00, v7  }
0x2b0: {  	vm10 =	vmmov vm2;
	vm13 =	vge.f32 v11, $0.0e+00;
	v63 =	vmul.f32 v45, v57  }
0x2b1: {  	v15 =	vmul.f32 v20, v15;
	v20 =	vmul.f32 v62, v47;
	v26 =	vmin.f32 v7, v61  }
0x2b2: {  	v38 =	vmul.f32 v17, v14;
	v45 =	vadd.f32 $2.000000030e-01, v63;
	v26 =	vmul.f32 $1.442695020e+00, v26  }
0x2b3: {  	v4 =	vadd.f32 v34, v4;
	v34 =	vsel vm6, v2, v3;
	v20 =	vadd.f32 $3.333333430e-01, v20  }
0x2b4: {  	v14 =	vsel vm7, v38, v17;
	v17 =	vmul.f32 v45, v57;
	(erf) = vpow2.f32 v26  }
0x2b5: {  	v9 =	vsel vm7, $0x0, v9;
	v18 =	vmul.f32 v37, v18;
	v20 =	vmul.f32 v20, v47  }
0x2b6: {  	v10 =	vsel vm8, $0x0, v10;
	v11 =	vsel vm13, $0x0, v11;
	v17 =	vadd.f32 $3.333333430e-01, v17  }
0x2b7: {  	v23 =	vadd.f32 v23, v23;
	v50 =	vmul.f32 v18, v16;
	v20 =	vadd.f32 $1.000000000e+00, v20  }
0x2b8: {  	v5 =	vsub.f32 v15, v5;
	v60 =	vmul.f32 v22, v19;
	v17 =	vmul.f32 v17, v57  }
0x2b9: {  	v21 =	vmul.f32 v21, v19;
	v16 =	vsel vm8, v50, v18;
	v20 =	vmul.f32 v20, v23  }
0x2ba: {  	v19 =	vsel vm3, v60, v22;
	v52 =	vadd.f32 v25, v25;
	v17 =	vadd.f32 $1.000000000e+00, v17  }
0x2bb: {  	vm9 =	vge.f32 v33, $0.0e+00;
	v16 =	vmul.f32 v16, v16;
	v56 =	vmul.f32 v19, v19  }
0x2bc: {  	v5 =	vmul.f32 v5, v35;
	v53 =	vsel vm0, v2, v3;
	v17 =	vmul.f32 v17, v52  }
0x2bd: {  	v8 =	vmul.f32 v56, v8;
	v16 =	vmul.f32 v16, v53;
	v9 =	vsub.f32 v20, v9;
	v20 =	vpop (erf)  }
0x2be: {  	v14 =	vmul.f32 v14, v14;
	v10 =	vsub.f32 v17, v10;
	v54 =	vadd.f32 $1.000000000e+00, v20  }
0x2bf: {  	vm11 =	vmmov vm9;
	v31 =	vmul.f32 v43, v31;
	v58 =	vmul.f32 v30, v40  }
0x2c0: {  	v46 =	vmul.f32 v21, v21;
	v10 =	vmul.f32 v10, v16;
	v16 =	vadd.f32 $1.000000000e+00, v54  }
0x2c1: {  	vm12 =	vmmov vm5;
	v50 =	vmul.f32 v30, v28;
	v38 =	vmul.f32 v44, v42  }
0x2c2: {  	vm14 =	vge.f32 v24, $0.0e+00;
	v49 =	vmul.f32 $1.111111120e-01, v46;
	v59 =	vmul.f32 v16, v54  }
0x2c3: {  	v19 =	vmul.f32 v58, v27;
	v48 =	vsel vm1, v2, v3;
	v61 =	vmul.f32 v44, v41  }
0x2c4: {  	v14 =	vmul.f32 v14, v48;
	v51 =	vadd.f32 $1.428571490e-01, v49;
	(erf) = vrcp.f32 v59  }
0x2c5: {  	v60 =	vsel vm9, $0x0, v33;
	v27 =	vmul.f32 v50, v27;
	v36 =	vmul.f32 v61, v32  }
0x2c6: {  	v4 =	vadd.f32 v5, v4;
	v9 =	vmul.f32 v9, v14;
	v18 =	vmul.f32 v51, v46  }
0x2c7: {  	v21 =	vadd.f32 v21, v21;
	v63 =	vmul.f32 v19, v19;
	v40 =	vmul.f32 v36, v36  }
0x2c8: {  	v41 =	vmul.f32 v38, v32;
	v18 =	vadd.f32 $2.000000030e-01, v18;
	v57 =	vmul.f32 v43, v39  }
0x2c9: {  	vm1 =	vmmov vm10;
	v39 =	vmul.f32 $1.111111120e-01, v63;
	v42 =	vmul.f32 $1.111111120e-01, v40  }
0x2ca: {  	v48 =	vsel vm1, v2, v3;
	v55 =	vmul.f32 v18, v46;
	v18 =	vmul.f32 v57, v29  }
0x2cb: {  	v5 =	vsel vm11, v41, v38;
	v26 =	vadd.f32 $1.428571490e-01, v39;
	v44 =	vadd.f32 $1.428571490e-01, v42  }
0x2cc: {  	vm15 =	vge.f32 v7, $0.0e+00;
	v5 =	vmul.f32 v5, v5;
	v62 =	vmul.f32 v18, v18  }
0x2cd: {  	v14 =	vadd.f32 $3.333333430e-01, v55;
	v26 =	vmul.f32 v26, v63;
	v22 =	vmul.f32 v44, v40;
	v45 =	vpop (erf)  }
0x2ce: {  	v19 =	vadd.f32 v19, v19;
	v37 =	vmul.f32 $1.111111120e-01, v62;
	v17 =	vmul.f32 v45, v54  }
0x2cf: {  	v14 =	vmul.f32 v14, v46;
	v26 =	vadd.f32 $2.000000030e-01, v26;
	v22 =	vadd.f32 $2.000000030e-01, v22  }
0x2d0: {  	v5 =	vmul.f32 v5, v34;
	v15 =	vadd.f32 $1.428571490e-01, v37;
	v17 =	vmul.f32 v17, v20  }
0x2d1: {  	v14 =	vadd.f32 $1.000000000e+00, v14;
	v46 =	vmul.f32 v26, v63;
	v22 =	vmul.f32 v22, v40  }
0x2d2: {  	v9 =	vadd.f32 v9, v13;
	v15 =	vmul.f32 v15, v62;
	v49 =	vmul.f32 v17, v17  }
0x2d3: {  	v29 =	vmul.f32 v31, v29;
	v14 =	vmul.f32 v14, v21;
	v22 =	vadd.f32 $3.333333430e-01, v22  }
0x2d4: {  	v21 =	vadd.f32 $3.333333430e-01, v46;
	v15 =	vadd.f32 $2.000000030e-01, v15;
	v51 =	vmul.f32 $1.111111120e-01, v49  }
0x2d5: {  	v55 =	vsel vm14, $0x0, v24;
	v10 =	vadd.f32 v10, v12;
	v53 =	vmul.f32 v22, v40  }
0x2d6: {  	v13 =	vmul.f32 v21, v63;
	v15 =	vmul.f32 v15, v62;
	v21 =	vadd.f32 $1.428571490e-01, v51  }
0x2d7: {  	v47 =	vsel vm13, v29, v31;
	v12 =	vadd.f32 v36, v36;
	v56 =	vadd.f32 $1.000000000e+00, v53  }
0x2d8: {  	v18 =	vadd.f32 v18, v18;
	v15 =	vadd.f32 $3.333333430e-01, v15;
	v21 =	vmul.f32 v21, v49  }
0x2d9: {  	v52 =	vsel vm14, v27, v50;
	v6 =	vsub.f32 v14, v6;
	v12 =	vmul.f32 v56, v12  }
0x2da: {  	v13 =	vadd.f32 $1.000000000e+00, v13;
	v15 =	vmul.f32 v15, v62;
	v21 =	vadd.f32 $2.000000030e-01, v21  }
0x2db: {  	v26 =	vmul.f32 v47, v47;
	v6 =	vmul.f32 v6, v8;
	v12 =	vsub.f32 v12, v60  }
0x2dc: {  	v13 =	vmul.f32 v13, v19;
	v15 =	vadd.f32 $1.000000000e+00, v15;
	v57 =	vmul.f32 v21, v49  }
0x2dd: {  	v26 =	vmul.f32 v26, v48;
	v4 =	vadd.f32 v6, v4;
	v5 =	vmul.f32 v12, v5  }
0x2de: {  	v13 =	vsub.f32 v13, v55;
	v15 =	vmul.f32 v15, v18;
	v58 =	vadd.f32 $3.333333430e-01, v57  }
0x2df: {  	v18 =	vmul.f32 v52, v52;
	v4 =	vadd.f32 v5, v4;
	v59 =	vmul.f32 v45, v16  }
0x2e0: {  	v54 =	vsel vm12, v2, v3;
	v11 =	vsub.f32 v15, v11;
	v60 =	vmul.f32 v58, v49  }
0x2e1: {  	v2 =	vsel vm4, v2, v3;
	v18 =	vmul.f32 v18, v54;
	v3 =	vmul.f32 v59, v20  }
0x2e2: {  	v11 =	vmul.f32 v11, v26;
	v61 =	vadd.f32 v17, v17;
	v6 =	vadd.f32 $1.000000000e+00, v60  }
0x2e3: {  	v2 =	vmul.f32 v2, v0;
	v13 =	vmul.f32 v13, v18;
	v3 =	vsel vm15, v3, v59  }
0x2e4: {  	v9 =	vadd.f32 v11, v9;
	v3 =	vmul.f32 v3, v3;
	v62 =	vmul.f32 v6, v61  }
0x2e5: {  	v7 =	vsel vm15, $0x0, v7;
	v63 =	vadd.f32 v13, v10  }
0x2e6: {  	v4 =	vadd.f32 v9, v4;
	v2 =	vmul.f32 v3, v2;
	v5 =	vsub.f32 v62, v7;
	_ =	sdelay $0x1  }
0x2e7: {  	v3 =	vadd.f32 v63, v4;
	v2 =	vmul.f32 v5, v2;
	_ =	sdelay $0x1  }
0x2e8: {  	v2 =	vadd.f32 v2, v3;
	_ =	sdelay $0x1  }
0x2e9: {  	[tilespmem:$0x17000] =	vst v2  }
0x2ea: {  	[hbm4b:s15+s2] =	stream.linear.scatter [tilespmem:s22], [sflag:$0x5], $0x80, $0x38;
	[tilespmem:$0x17880] =	vst v63  }
0x2eb: {  	_ =	swait.ge [sflag:s23], $0x80  }
0x2ec: {  	[sflag:s23] =	ssyncset.done $0x0  }
0x2ed: {  	[sflag:s23] =	ssyncadd.s32 $0xFFFFFF80  }
0x2ee: {  	s28 =	simm.s32 @!p0 $0x17080;
	s0 =	simm.s32 @!p0 $0x0;
	[bflag:$0x0] =	sbarrier.arrive $0xFFFF  }
0x2ef: {  	[tilespmem:s28], [sflag:$0x5] =	stream.linear.gather @!p0 [hbm4b:s16+s0], $0x800, $0x38;
	[tilespmem:$0x17880] =	vst v63  }
0x2f0: {  	s28 =	simm.s32 @!p0 $0x5  }
0x2f1: {  	_ =	swait.ge @!p0 [sflag:s28], $0x800  }
0x2f2: {  	[sflag:s28] =	ssyncset.done @!p0 $0x0  }
0x2f3: {  	[sflag:s28] =	ssyncadd.s32 @!p0 $0xFFFFF800  }
0x2f4: {  	v2 =	vld @!p0 [tilespmem:$0x17080]  }
0x2f5: {  	v3 =	vld @!p0 [tilespmem:$0x17100];
	_ =	sdelay $0x1  }
0x2f6: {  	v4 =	vld @!p0 [tilespmem:$0x17180];
	_ =	sdelay $0x1  }
0x2f7: {  	v5 =	vld @!p0 [tilespmem:$0x17200]  }
0x2f8: {  	v2 =	vadd.f32 @!p0 v3, v2  }
0x2f9: {  	v3 =	vld @!p0 [tilespmem:$0x17280]  }
0x2fa: {  	v2 =	vadd.f32 @!p0 v4, v2  }
0x2fb: {  	v4 =	vld @!p0 [tilespmem:$0x17300]  }
0x2fc: {  	v2 =	vadd.f32 @!p0 v5, v2  }
0x2fd: {  	v5 =	vld @!p0 [tilespmem:$0x17380]  }
0x2fe: {  	v2 =	vadd.f32 @!p0 v3, v2  }
0x2ff: {  	v3 =	vld @!p0 [tilespmem:$0x17400]  }
0x300: {  	v2 =	vadd.f32 @!p0 v4, v2  }
0x301: {  	v4 =	vld @!p0 [tilespmem:$0x17480]  }
0x302: {  	v2 =	vadd.f32 @!p0 v5, v2  }
0x303: {  	v5 =	vld @!p0 [tilespmem:$0x17500]  }
0x304: {  	v2 =	vadd.f32 @!p0 v3, v2  }
0x305: {  	v3 =	vld @!p0 [tilespmem:$0x17580]  }
0x306: {  	v2 =	vadd.f32 @!p0 v4, v2  }
0x307: {  	v4 =	vld @!p0 [tilespmem:$0x17600]  }
0x308: {  	v2 =	vadd.f32 @!p0 v5, v2  }
0x309: {  	v5 =	vld @!p0 [tilespmem:$0x17680]  }
0x30a: {  	v2 =	vadd.f32 @!p0 v3, v2  }
0x30b: {  	v3 =	vld @!p0 [tilespmem:$0x17700]  }
0x30c: {  	v2 =	vadd.f32 @!p0 v4, v2  }
0x30d: {  	v4 =	vld @!p0 [tilespmem:$0x17780]  }
0x30e: {  	v2 =	vadd.f32 @!p0 v5, v2  }
0x30f: {  	v5 =	vld @!p0 [tilespmem:$0x17800]  }
0x310: {  	v2 =	vadd.f32 @!p0 v3, v2;
	_ =	sdelay $0x1  }
0x311: {  	v2 =	vadd.f32 @!p0 v4, v2;
	_ =	sdelay $0x1  }
0x312: {  	v2 =	vadd.f32 @!p0 v5, v2;
	_ =	sdelay $0x1  }
0x313: {  	(xrf2) =	vadd.scan.msk.f32 @!p0 $0xffff, v2;
	_ =	sdelay $0x9  }
0x314: {  	v2, _, _ =	vpop @!p0 (xrf2)  }
0x315: {  	(v2sf) =	vpush @!p0 v2, $0xF;
	_ =	sdelay $0xe  }
0x316: {  	s29 =	spop @!p0 (v2sf)  }
0x317: {  	s29 =	smul.f32 @!p0 $9.999999970e-07, s29  }
0x318: {  	s24 =	sadd.s32 $0x1, s24  }
0x319: {  	p1 =	sne.s32 s24, s18;
	v2 =	vmov @!p0 s29  }
.Ltmp3:
0x31a: {  	s29 =	simm.s32 @!p0 $0x17000;
	[tilespmem:$0x17000] =	vst @!p0 v2;
	(pc) =	sbr.rel @p1 .LBB2_1-.Ltmp3, $4  }
0x31b: {  	[hbm4b:s17+s0] =	stream.linear.scatter @!p0 [tilespmem:s29], [sflag:$0x5], $0x80, $0x38;
	[tilespmem:$0x17880] =	vst v63  }
0x31c: {  	_ =	swait.ge @!p0 [sflag:s28], $0x80  }
0x31d: {  	[sflag:s28] =	ssyncset.done @!p0 $0x0  }
0x31e: {  	[sflag:s28] =	ssyncadd.s32 @!p0 $0xFFFFFF80  }
0x31f: {  	_ =	sfence.sel $0x180000  }
0x320: {  	[bflag:$0x0] =	sbarrier.arrive $0xFFFF  }
0x321: {  	_ =	strace $0x90000047  }
0x322: {  	[bflag:$0x2] =	sbarrier.arrive $0xFFFF  }
0x323: {  	s0 =	rddreg [dreg:$0x3]  }
0x324: {  	s0 =	sadd.s32 @!p0 $0x100000, s0  }
0x325: {  	[sflag:s0] =	ssyncadd.tile.s32 @!p0 $0x1;
	_ =	shalt  }
.Lfunc_end2:
_tile_overlayer_lowered:
.L_overlay_start_2:
0x326: {  	(tag) =	ssettag $0x2  }
0x327: {  	s0 =	rddreg [dreg:$0x0];
	s2 =	stileid.u32  }
0x328: {  	s1 =	rddreg [dreg:$0x1];
	p0 =	sne.s32 s2, $0x0  }
0x329: {  	s3 =	rddreg [dreg:$0x2];
	[bflag:$0x3] =	sbarrier.arrive $0xFFFF;
	s2 =	simm.s32 @!p0 $0x1C05  }
0x32a: {  	[timem:s3], [sflag:s2] =	dma.local @!p0 [hbm:s0], s1  }
0x32b: {  	s0 =	simm.s32 @!p0 $0x5  }
0x32c: {  	_ =	swait.ge @!p0 [sflag:s0], s1  }
0x32d: {  	s1 =	ssub.s32 @!p0 $0x0, s1;
	[sflag:s0] =	ssyncset.done @!p0 $0x0  }
0x32e: {  	[sflag:s0] =	ssyncadd.s32 @!p0 s1  }
0x32f: {  	[bflag:$0x3] =	sbarrier.arrive $0xFFFF  }
0x330: {  	_ =	shalt  }

</sc_bundles>
